<compile_context>
chip_gen: v7x
topology: tpu7x:2x2x1
jax: 0.10.2.dev20260603
libtpu: 0.0.44.dev20260713+nightly
codegen_flags: <defaults>
</compile_context>

<pallas_src>
import functools

import jax
import jax.numpy as jnp
from jax import lax
from jax.experimental import pallas as pl
from jax.experimental.pallas import tpu as pltpu
from jax.experimental.pallas import tpu_sc as plsc

_N = 10000
_E = 320000
_D = 128
_DE = 16

_NC = 2
_NS = 16
_NW = _NC * _NS
_BLK = 128
_NBLK = 80
_NSLOT = 2
_NGRP = _NBLK // _NSLOT
_EPT = _NBLK * _BLK
_EPAD = _NW * _EPT
_NACC = 10240
_NTAB = _N + 16
_RPT = _NACC // _NS
_WB = 128


def _ab_body(nf_ref, wa_ref, wb_ref, a_ref, b_ref):
    x = nf_ref[...]
    a = jnp.dot(x, wa_ref[...], preferred_element_type=jnp.float32)
    b = jnp.dot(x, wb_ref[...], preferred_element_type=jnp.float32)
    a_ref[...] = a.astype(jnp.bfloat16)
    b_ref[...] = b.astype(jnp.bfloat16)


_ab_call = pl.pallas_call(
    _ab_body,
    grid=(5,),
    in_specs=[
        pl.BlockSpec((2000, _D), lambda i: (i, 0)),
        pl.BlockSpec((_D, _D), lambda i: (0, 0)),
        pl.BlockSpec((_D, _D), lambda i: (0, 0)),
    ],
    out_specs=[pl.BlockSpec((2000, _D), lambda i: (i, 0))] * 2,
    out_shape=[jax.ShapeDtypeStruct((_NTAB, _D), jnp.bfloat16)] * 2,
)


def _c_body(ef_ref, wc_ref, b1_ref, c_ref):
    c = (jnp.dot(ef_ref[...], wc_ref[...], preferred_element_type=jnp.float32)
         + b1_ref[...])
    c_ref[...] = c.astype(jnp.bfloat16)


_c_call = pl.pallas_call(
    _c_body,
    grid=(_E // 4000,),
    in_specs=[
        pl.BlockSpec((4000, _DE), lambda i: (i, 0)),
        pl.BlockSpec((_DE, _D), lambda i: (0, 0)),
        pl.BlockSpec((1, _D), lambda i: (0, 0)),
    ],
    out_specs=pl.BlockSpec((4000, _D), lambda i: (i, 0)),
    out_shape=jax.ShapeDtypeStruct((_EPAD, _D), jnp.bfloat16),
)


def _attn_body(q_ref, k_ref, o_ref):
    q = q_ref[0]
    k = k_ref[0]
    qb = 1000
    m = jnp.full((qb, 1), -1e30, jnp.float32)
    l = jnp.zeros((qb, 1), jnp.float32)
    acc = jnp.zeros((qb, _D), jnp.float32)
    for j in range(5):
        kj = k[j * qb:(j + 1) * qb]
        s = lax.dot_general(q, kj, (((1,), (1,)), ((), ())),
                            preferred_element_type=jnp.float32)
        mj = jnp.max(s, axis=1, keepdims=True)
        mn = jnp.maximum(m, mj)
        corr = jnp.exp(m - mn)
        p = jnp.exp(s - mn)
        l = l * corr + jnp.sum(p, axis=1, keepdims=True)
        acc = acc * corr + jnp.dot(p, kj, preferred_element_type=jnp.float32)
        m = mn
    o_ref[0] = q - acc / l


_attn_call = pl.pallas_call(
    _attn_body,
    grid=(10,),
    in_specs=[
        pl.BlockSpec((1, 1000, _D), lambda i: (i // 5, i % 5, 0)),
        pl.BlockSpec((1, _N // 2, _D), lambda i: (1 - i // 5, 0, 0)),
    ],
    out_specs=pl.BlockSpec((1, 1000, _D), lambda i: (i // 5, i % 5, 0)),
    out_shape=jax.ShapeDtypeStruct((2, _N // 2, _D), jnp.float32),
)


@functools.cache
def _get_sc_scatter():
  mesh = plsc.VectorSubcoreMesh(
      core_axis_name="c", subcore_axis_name="s",
      num_cores=_NC, num_subcores=_NS)

  @functools.partial(
      pl.kernel,
      out_type=(
          jax.ShapeDtypeStruct((_NC, _NACC, _D), jnp.bfloat16),
          jax.ShapeDtypeStruct((_NW, _NACC), jnp.float32),
      ),
      mesh=mesh,
      scratch_types=[
          pltpu.VMEM((_NBLK, _BLK), jnp.int32),
          pltpu.VMEM((_NBLK, _BLK), jnp.int32),
      ] + [pltpu.VMEM((_BLK, _D), jnp.bfloat16)] * (3 * _NSLOT) + [
          pltpu.VMEM((_NACC,), jnp.float32),
          pltpu.VMEM_SHARED((_NACC, _D), jnp.bfloat16),
      ] + [pltpu.SemaphoreType.DMA] * _NSLOT,
      compiler_params=pltpu.CompilerParams(use_tc_tiling_on_sc=False,
                                           needs_layout_passes=False),
  )
  def _sc_scatter(a_hbm, b_hbm, c_hbm, ei_hbm,
                  sh_out, deg_out, src2d, dst2d, *rest):
    bufs = rest[:3 * _NSLOT]
    deg_v, sh_acc = rest[3 * _NSLOT:3 * _NSLOT + 2]
    sems = rest[3 * _NSLOT + 2:]
    slots = tuple((bufs[3 * s], bufs[3 * s + 1], bufs[3 * s + 2], sems[s])
                  for s in range(_NSLOT))
    a0_v = bufs[0]

    cid = lax.axis_index("c")
    sid = lax.axis_index("s")
    wid = cid * _NS + sid
    row0 = sid * _RPT

    zero16 = jnp.zeros((16,), jnp.float32)
    zero32b = jnp.zeros((32,), jnp.bfloat16)
    one16 = jnp.full((16,), 1.0, jnp.float32)

    def _init_deg(i, carry):
      deg_v[pl.ds(i * 16, 16)] = zero16
      return carry

    lax.fori_loop(0, _NACC // 16, _init_deg, 0)

    pltpu.sync_copy(ei_hbm.at[0, wid], src2d)
    pltpu.sync_copy(ei_hbm.at[1, wid], dst2d)

    def _start(blk, slot):
      av, bv, cv, sem = slot
      pltpu.async_copy(a_hbm.at[src2d.at[blk]], av, sem)
      pltpu.async_copy(b_hbm.at[dst2d.at[blk]], bv, sem)
      pltpu.async_copy(c_hbm.at[pl.ds(wid * _NBLK * _BLK + blk * _BLK,
                                      _BLK)], cv, sem)

    def _finish(blk, slot):
      av, bv, cv, sem = slot
      pltpu.make_async_copy(a_hbm.at[src2d.at[blk]], av, sem).wait()
      pltpu.make_async_copy(b_hbm.at[dst2d.at[blk]], bv, sem).wait()
      pltpu.make_async_copy(
          c_hbm.at[pl.ds(wid * _NBLK * _BLK + blk * _BLK, _BLK)],
          cv, sem).wait()

      def _row(i, c2):
        for j in range(_D // 32):
          sl = pl.ds(j * 32, 32)
          av[i, sl] = jnp.maximum(av[i, sl] + bv[i, sl] + cv[i, sl],
                                  jnp.bfloat16(0.0))
        return c2

      lax.fori_loop(0, _BLK, _row, 0)
      pltpu.sync_copy(av, sh_acc.at[dst2d.at[blk]], add=True)

      def _deg(i, c3):
        idx = dst2d[blk, pl.ds(i * 16, 16)]
        plsc.addupdate_scatter(deg_v, [idx], one16)
        return c3

      lax.fori_loop(0, _BLK // 16, _deg, 0)

    def _zero_a(i, carry):
      for j in range(_D // 32):
        a0_v[i, pl.ds(j * 32, 32)] = zero32b
      return carry

    lax.fori_loop(0, _BLK, _zero_a, 0)
    for kk in range(_RPT // _WB):
      pltpu.sync_copy(a0_v.at[pl.ds(0, _WB)],
                      sh_acc.at[pl.ds(row0 + kk * _WB, _WB)])
    plsc.subcore_barrier()

    for s in range(_NSLOT - 1):
      _start(s, slots[s])

    def _grp(g, carry):
      for s in range(_NSLOT):
        blk = g * _NSLOT + s
        nxt = blk + _NSLOT - 1

        @pl.when(nxt < _NBLK)
        def _():
          _start(nxt, slots[(s + _NSLOT - 1) % _NSLOT])

        _finish(blk, slots[s])
      return carry

    lax.fori_loop(0, _NGRP, _grp, 0)
    plsc.subcore_barrier()

    for kk in range(_RPT // _WB):
      r = row0 + kk * _WB
      pltpu.sync_copy(sh_acc.at[pl.ds(r, _WB)], a0_v.at[pl.ds(0, _WB)])
      pltpu.sync_copy(a0_v.at[pl.ds(0, _WB)], sh_out.at[cid, pl.ds(r, _WB)])
    pltpu.sync_copy(deg_v, deg_out.at[wid])

  return _sc_scatter


def _final_body(sh0, sh1, dall, u_ref, nf_ref, w2t, b2r,
                wim, wiu, bi, wht, bh, o_ref):
    s = sh0[0].astype(jnp.float32) + sh1[0].astype(jnp.float32)
    deg = jnp.sum(dall[...], axis=1)[:, None]
    m = (jnp.dot(s, w2t[...], preferred_element_type=jnp.float32)
         + deg * b2r[...])
    u = u_ref[...]
    nf = nf_ref[...]
    gi = (jnp.dot(m, wim[...], preferred_element_type=jnp.float32)
          + jnp.dot(u, wiu[...], preferred_element_type=jnp.float32)
          + bi[...])
    gh = jnp.dot(nf, wht[...], preferred_element_type=jnp.float32) + bh[...]
    r = jax.nn.sigmoid(gi[:, :_D] + gh[:, :_D])
    z = jax.nn.sigmoid(gi[:, _D:2 * _D] + gh[:, _D:2 * _D])
    n = jnp.tanh(gi[:, 2 * _D:] + r * gh[:, 2 * _D:])
    o_ref[...] = (1.0 - z) * n + z * nf


_final_call = pl.pallas_call(
    _final_body,
    grid=(5,),
    in_specs=[
        pl.BlockSpec((1, 2000, _D), lambda i: (0, i, 0)),
        pl.BlockSpec((1, 2000, _D), lambda i: (1, i, 0)),
        pl.BlockSpec((2000, _NW), lambda i: (i, 0)),
        pl.BlockSpec((2000, _D), lambda i: (i, 0)),
        pl.BlockSpec((2000, _D), lambda i: (i, 0)),
        pl.BlockSpec((_D, _D), lambda i: (0, 0)),
        pl.BlockSpec((1, _D), lambda i: (0, 0)),
        pl.BlockSpec((_D, 3 * _D), lambda i: (0, 0)),
        pl.BlockSpec((_D, 3 * _D), lambda i: (0, 0)),
        pl.BlockSpec((1, 3 * _D), lambda i: (0, 0)),
        pl.BlockSpec((_D, 3 * _D), lambda i: (0, 0)),
        pl.BlockSpec((1, 3 * _D), lambda i: (0, 0)),
    ],
    out_specs=pl.BlockSpec((2000, _D), lambda i: (i, 0)),
    out_shape=jax.ShapeDtypeStruct((_N, _D), jnp.float32),
)


def kernel(node_features, edge_features, edge_index, W1, b1, W2, b2,
           W_ih, b_ih, W_hh, b_hh):
    nf = node_features
    eip = jnp.pad(edge_index, ((0, 0), (0, _EPAD - _E)),
                  constant_values=_N)

    w1at = W1[:, :_D].T
    w1bt = W1[:, _D:2 * _D].T
    w1ct = W1[:, 2 * _D:].T

    a_tab, b_tab = _ab_call(nf, w1at, w1bt)
    c_rows = _c_call(edge_features, w1ct, b1.reshape(1, _D))

    sh, deg_all = _get_sc_scatter()(
        a_tab, b_tab, c_rows, eip.reshape(2, _NW, _NBLK, _BLK))

    xy = nf.reshape(2, _N // 2, _D)
    u = _attn_call(xy, xy).reshape(_N, _D)

    wiht = W_ih.T
    h_new = _final_call(
        sh, sh, deg_all[:, :_N].T, u, nf,
        W2.T, b2.reshape(1, _D), wiht[:_D], wiht[_D:],
        b_ih.reshape(1, 3 * _D), W_hh.T, b_hh.reshape(1, 3 * _D))
    return h_new

# --- scband reference (transcript-rebuilt; emitter-appended) ---
"""Pipeline reference for scband-graph-matching-layer-1666447311071 (READ-ONLY COPY).

The authoritative reference and input builder live on the scoring server;
editing this copy changes nothing except your own understanding.
"""

import jax, jax.numpy as jnp
import numpy as np

N = 10000
E = 320000
D = 128
DE = 16


def setup_inputs(seed: int = 0) -> dict:
    key = jax.random.key(seed)
    ks = jax.random.split(key, 12)
    node_features = jax.random.normal(ks[0], (N, D), dtype=jnp.float32)
    edge_features = jax.random.normal(ks[1], (E, DE), dtype=jnp.float32)
    edge_index = jax.random.randint(ks[2], (2, E), 0, N, dtype=jnp.int32)
    # fn_message: Linear(2D+DE -> D), ReLU, Linear(D -> D)
    W1 = jax.random.normal(ks[3], (D, 2 * D + DE), dtype=jnp.float32) * 0.05
    b1 = jnp.zeros((D,), dtype=jnp.float32)
    W2 = jax.random.normal(ks[4], (D, D), dtype=jnp.float32) * 0.05
    b2 = jnp.zeros((D,), dtype=jnp.float32)
    # GRUCell(input=2D, hidden=D): torch layout [3*D, in]
    W_ih = jax.random.normal(ks[5], (3 * D, 2 * D), dtype=jnp.float32) * 0.05
    b_ih = jnp.zeros((3 * D,), dtype=jnp.float32)
    W_hh = jax.random.normal(ks[6], (3 * D, D), dtype=jnp.float32) * 0.05
    b_hh = jnp.zeros((3 * D,), dtype=jnp.float32)
    return {
        "node_features": node_features,
        "edge_features": edge_features,
        "edge_index": edge_index,
        "W1": W1, "b1": b1, "W2": W2, "b2": b2,
        "W_ih": W_ih, "b_ih": b_ih, "W_hh": W_hh, "b_hh": b_hh,
    }


def reference(node_features, edge_features, edge_index, W1, b1, W2, b2, W_ih, b_ih, W_hh, b_hh):
    src = edge_index[0]
    dst = edge_index[1]
    # _pass_message: per-edge MLP on [h_src, h_dst, e], sum-aggregated at dst
    h_src = jnp.take(node_features, src, axis=0)
    h_dst = jnp.take(node_features, dst, axis=0)
    cat = jnp.concatenate([h_src, h_dst, edge_features], axis=-1)
    hid = jax.nn.relu(cat @ W1.T + b1)
    msg = hid @ W2.T + b2
    m = jax.ops.segment_sum(msg, dst, num_segments=N)
    # _cross_attention: batch of one pair (two graphs of N/2 nodes each)
    half = N // 2
    x = node_features[:half]
    y = node_features[half:]
    pd = x @ y.T  # pairwise_distance_func = dot product
    wx = jax.nn.softmax(pd, axis=1)
    wy = jax.nn.softmax(pd, axis=0).T
    ux = x - wx @ y
    uy = y - wy @ x
    u = jnp.concatenate([ux, uy], axis=0)
    # GRUCell update (PyTorch semantics)
    xin = jnp.concatenate([m, u], axis=1)
    gi = xin @ W_ih.T + b_ih
    gh = node_features @ W_hh.T + b_hh
    i_r, i_z, i_n = jnp.split(gi, 3, axis=1)
    h_r, h_z, h_n = jnp.split(gh, 3, axis=1)
    r = jax.nn.sigmoid(i_r + h_r)
    z = jax.nn.sigmoid(i_z + h_z)
    n = jnp.tanh(i_n + r * h_n)
    h_new = (1.0 - z) * n + z * node_features
    return h_new

if __name__ == "__main__":
    import jax
    _d = setup_inputs()
    print(jax.jit(kernel)(*tuple(_d.values())))

</pallas_src>

<mosaic_0001>
#map = affine_map<(d0, d1) -> (0, 0)>
#map1 = affine_map<(d0, d1) -> (0, 0, 0, 0)>
#map2 = affine_map<(d0, d1) -> (0, 0, 0)>
module attributes {stable_mosaic.version = 14 : i64} {
  func.func @_sc_scatter(%arg0: i32, %arg1: i32, %arg2: memref<10016x128xbf16, #tpu.memory_space<hbm>>, %arg3: memref<10016x128xbf16, #tpu.memory_space<hbm>>, %arg4: memref<327680x128xbf16, #tpu.memory_space<hbm>>, %arg5: memref<2x32x80x128xi32, #tpu.memory_space<hbm>>, %arg6: memref<2x10240x128xbf16, #tpu.memory_space<hbm>>, %arg7: memref<32x10240xf32, #tpu.memory_space<hbm>>, %arg8: memref<80x128xi32, #tpu.memory_space<vmem>>, %arg9: memref<80x128xi32, #tpu.memory_space<vmem>>, %arg10: memref<128x128xbf16, #tpu.memory_space<vmem>>, %arg11: memref<128x128xbf16, #tpu.memory_space<vmem>>, %arg12: memref<128x128xbf16, #tpu.memory_space<vmem>>, %arg13: memref<128x128xbf16, #tpu.memory_space<vmem>>, %arg14: memref<128x128xbf16, #tpu.memory_space<vmem>>, %arg15: memref<128x128xbf16, #tpu.memory_space<vmem>>, %arg16: memref<10240xf32, #tpu.memory_space<vmem>>, %arg17: memref<10240x128xbf16, #tpu.memory_space<vmem_shared>>, %arg18: memref<!tpu.dma_semaphore, #tpu.memory_space<semaphore_mem>>, %arg19: memref<!tpu.dma_semaphore, #tpu.memory_space<semaphore_mem>>) attributes {dimension_semantics = [#tpu.dimension_semantics<core_parallel>, #tpu.dimension_semantics<subcore_parallel>], iteration_bounds = array<i64: 2, 16>, scalar_prefetch = 0 : i64, scratch_operands = 12 : i64, tpu.core_type = #tpu.core_type<sc_vector_subcore>, window_params = [{transform_indices = #map}, {transform_indices = #map}, {transform_indices = #map}, {transform_indices = #map1}, {transform_indices = #map2}, {transform_indices = #map}]} {
    %mul3A = arith.constant 16 : i32
    %mul3A_0 = arith.muli %arg0, %mul3A : i32
    %add3A = arith.addi %mul3A_0, %arg1 : i32
    %mul3A_1 = arith.constant 640 : i32
    %mul3A_2 = arith.muli %arg1, %mul3A_1 : i32
    %broadcast_in_dim3A = arith.constant 0.000000e+00 : f32
    %broadcast_in_dim3A_3 = vector.broadcast %broadcast_in_dim3A : f32 to vector<16xf32>
    %broadcast_in_dim3A_4 = arith.constant 0.000000e+00 : bf16
    %broadcast_in_dim3A_5 = vector.broadcast %broadcast_in_dim3A_4 : bf16 to vector<32xbf16>
    %broadcast_in_dim3A_6 = arith.constant 1.000000e+00 : f32
    %broadcast_in_dim3A_7 = vector.broadcast %broadcast_in_dim3A_6 : f32 to vector<16xf32>
    %scan3A = arith.constant 0 : i32
    %scan3A_8 = arith.constant 0 : i32
    %scan3A_9 = arith.constant 640 : i32
    %scan3A_10 = arith.addi %scan3A_8, %scan3A_9 : i32
    %scan3A_11 = arith.constant 1 : i32
    scf.for %scan3A_70 = %scan3A_8 to %scan3A_10 step %scan3A_11  : i32 {
      %mul3A_71 = arith.constant 16 : i32
      %mul3A_72 = arith.muli %scan3A_70, %mul3A_71 : i32
      %swap3A = arith.index_cast %mul3A_72 : i32 to index
      %swap3A_73 = tpu.vector_load %arg16[%swap3A] {strides = array<i32>} : memref<10240xf32, #tpu.memory_space<vmem>>, vector<16xf32>,
      tpu.vector_store %arg16[%swap3A], %broadcast_in_dim3A_3 {strides = array<i32>} : memref<10240xf32, #tpu.memory_space<vmem>>, vector<16xf32>,
    }
    %scan3A_12 = arith.constant 640 : i32
    %run_scoped3A = arith.constant 0 : i32
    "tpu.region"() ({
      %run_scoped3A_70 = tpu.sem_alloc : memref<!tpu.dma_semaphore, #tpu.memory_space<semaphore_mem>>
      %dma_start3A_71 = arith.constant 0 : i32
      %dma_start3A_72 = arith.constant 0 : i32
      %dma_start3A_73 = tpu.memref_slice %arg5[%run_scoped3A, %add3A, %dma_start3A_71, %dma_start3A_72] : memref<2x32x80x128xi32, #tpu.memory_space<hbm>> -> memref<1x1x80x128xi32, #tpu.memory_space<hbm>>
      %dma_start3A_74 = tpu.memref_squeeze %dma_start3A_73 : memref<1x1x80x128xi32, #tpu.memory_space<hbm>> -> memref<80x128xi32, #tpu.memory_space<hbm>>
      %dma_start3A_75 = arith.constant 0 : i32
      %dma_start3A_76 = arith.constant 0 : i32
      %dma_start3A_77 = tpu.memref_slice %arg5[%run_scoped3A, %add3A, %dma_start3A_75, %dma_start3A_76] : memref<2x32x80x128xi32, #tpu.memory_space<hbm>> -> memref<1x1x80x128xi32, #tpu.memory_space<hbm>>
      %dma_start3A_78 = tpu.memref_squeeze %dma_start3A_77 : memref<1x1x80x128xi32, #tpu.memory_space<hbm>> -> memref<80x128xi32, #tpu.memory_space<hbm>>
      tpu.enqueue_dma source(%dma_start3A_78 : memref<80x128xi32, #tpu.memory_space<hbm>>) target(%arg8 : memref<80x128xi32, #tpu.memory_space<vmem>>) target_semaphore(%run_scoped3A_70 : memref<!tpu.dma_semaphore, #tpu.memory_space<semaphore_mem>>)
      %dma_wait3A = arith.constant 0 : i32
      %dma_wait3A_79 = arith.constant 0 : i32
      %dma_wait3A_80 = tpu.memref_slice %arg5[%run_scoped3A, %add3A, %dma_wait3A, %dma_wait3A_79] : memref<2x32x80x128xi32, #tpu.memory_space<hbm>> -> memref<1x1x80x128xi32, #tpu.memory_space<hbm>>
      %dma_wait3A_81 = tpu.memref_squeeze %dma_wait3A_80 : memref<1x1x80x128xi32, #tpu.memory_space<hbm>> -> memref<80x128xi32, #tpu.memory_space<hbm>>
      %dma_wait3A_82 = arith.constant 0 : i32
      %dma_wait3A_83 = arith.constant 0 : i32
      %dma_wait3A_84 = tpu.memref_slice %arg5[%run_scoped3A, %add3A, %dma_wait3A_82, %dma_wait3A_83] : memref<2x32x80x128xi32, #tpu.memory_space<hbm>> -> memref<1x1x80x128xi32, #tpu.memory_space<hbm>>
      %dma_wait3A_85 = tpu.memref_squeeze %dma_wait3A_84 : memref<1x1x80x128xi32, #tpu.memory_space<hbm>> -> memref<80x128xi32, #tpu.memory_space<hbm>>
      tpu.wait_dma2 semaphore(%run_scoped3A_70 : memref<!tpu.dma_semaphore, #tpu.memory_space<semaphore_mem>>) src(%dma_wait3A_85 : memref<80x128xi32, #tpu.memory_space<hbm>>) dst(%arg8 : memref<80x128xi32, #tpu.memory_space<vmem>>)
      tpu.yield
    }) : () -> ()
    %run_scoped3A_13 = arith.constant 1 : i32
    "tpu.region"() ({
      %run_scoped3A_70 = tpu.sem_alloc : memref<!tpu.dma_semaphore, #tpu.memory_space<semaphore_mem>>
      %dma_start3A_71 = arith.constant 0 : i32
      %dma_start3A_72 = arith.constant 0 : i32
      %dma_start3A_73 = tpu.memref_slice %arg5[%run_scoped3A_13, %add3A, %dma_start3A_71, %dma_start3A_72] : memref<2x32x80x128xi32, #tpu.memory_space<hbm>> -> memref<1x1x80x128xi32, #tpu.memory_space<hbm>>
      %dma_start3A_74 = tpu.memref_squeeze %dma_start3A_73 : memref<1x1x80x128xi32, #tpu.memory_space<hbm>> -> memref<80x128xi32, #tpu.memory_space<hbm>>
      %dma_start3A_75 = arith.constant 0 : i32
      %dma_start3A_76 = arith.constant 0 : i32
      %dma_start3A_77 = tpu.memref_slice %arg5[%run_scoped3A_13, %add3A, %dma_start3A_75, %dma_start3A_76] : memref<2x32x80x128xi32, #tpu.memory_space<hbm>> -> memref<1x1x80x128xi32, #tpu.memory_space<hbm>>
      %dma_start3A_78 = tpu.memref_squeeze %dma_start3A_77 : memref<1x1x80x128xi32, #tpu.memory_space<hbm>> -> memref<80x128xi32, #tpu.memory_space<hbm>>
      tpu.enqueue_dma source(%dma_start3A_78 : memref<80x128xi32, #tpu.memory_space<hbm>>) target(%arg9 : memref<80x128xi32, #tpu.memory_space<vmem>>) target_semaphore(%run_scoped3A_70 : memref<!tpu.dma_semaphore, #tpu.memory_space<semaphore_mem>>)
      %dma_wait3A = arith.constant 0 : i32
      %dma_wait3A_79 = arith.constant 0 : i32
      %dma_wait3A_80 = tpu.memref_slice %arg5[%run_scoped3A_13, %add3A, %dma_wait3A, %dma_wait3A_79] : memref<2x32x80x128xi32, #tpu.memory_space<hbm>> -> memref<1x1x80x128xi32, #tpu.memory_space<hbm>>
      %dma_wait3A_81 = tpu.memref_squeeze %dma_wait3A_80 : memref<1x1x80x128xi32, #tpu.memory_space<hbm>> -> memref<80x128xi32, #tpu.memory_space<hbm>>
      %dma_wait3A_82 = arith.constant 0 : i32
      %dma_wait3A_83 = arith.constant 0 : i32
      %dma_wait3A_84 = tpu.memref_slice %arg5[%run_scoped3A_13, %add3A, %dma_wait3A_82, %dma_wait3A_83] : memref<2x32x80x128xi32, #tpu.memory_space<hbm>> -> memref<1x1x80x128xi32, #tpu.memory_space<hbm>>
      %dma_wait3A_85 = tpu.memref_squeeze %dma_wait3A_84 : memref<1x1x80x128xi32, #tpu.memory_space<hbm>> -> memref<80x128xi32, #tpu.memory_space<hbm>>
      tpu.wait_dma2 semaphore(%run_scoped3A_70 : memref<!tpu.dma_semaphore, #tpu.memory_space<semaphore_mem>>) src(%dma_wait3A_85 : memref<80x128xi32, #tpu.memory_space<hbm>>) dst(%arg9 : memref<80x128xi32, #tpu.memory_space<vmem>>)
      tpu.yield
    }) : () -> ()
    %scan3A_14 = arith.constant 0 : i32
    %scan3A_15 = arith.constant 0 : i32
    %scan3A_16 = arith.constant 128 : i32
    %scan3A_17 = arith.addi %scan3A_15, %scan3A_16 : i32
    %scan3A_18 = arith.constant 1 : i32
    scf.for %scan3A_70 = %scan3A_15 to %scan3A_17 step %scan3A_18  : i32 {
      %swap3A = arith.index_cast %scan3A_70 : i32 to index
      %swap3A_71 = arith.constant 0 : index
      %swap3A_72 = tpu.vector_load %arg10[%swap3A, %swap3A_71] {strides = array<i32>} : memref<128x128xbf16, #tpu.memory_space<vmem>>, vector<32xbf16>,
      tpu.vector_store %arg10[%swap3A, %swap3A_71], %broadcast_in_dim3A_5 {strides = array<i32>} : memref<128x128xbf16, #tpu.memory_space<vmem>>, vector<32xbf16>,
      %swap3A_73 = arith.index_cast %scan3A_70 : i32 to index
      %swap3A_74 = arith.constant 32 : index
      %swap3A_75 = tpu.vector_load %arg10[%swap3A_73, %swap3A_74] {strides = array<i32>} : memref<128x128xbf16, #tpu.memory_space<vmem>>, vector<32xbf16>,
      tpu.vector_store %arg10[%swap3A_73, %swap3A_74], %broadcast_in_dim3A_5 {strides = array<i32>} : memref<128x128xbf16, #tpu.memory_space<vmem>>, vector<32xbf16>,
      %swap3A_76 = arith.index_cast %scan3A_70 : i32 to index
      %swap3A_77 = arith.constant 64 : index
      %swap3A_78 = tpu.vector_load %arg10[%swap3A_76, %swap3A_77] {strides = array<i32>} : memref<128x128xbf16, #tpu.memory_space<vmem>>, vector<32xbf16>,
      tpu.vector_store %arg10[%swap3A_76, %swap3A_77], %broadcast_in_dim3A_5 {strides = array<i32>} : memref<128x128xbf16, #tpu.memory_space<vmem>>, vector<32xbf16>,
      %swap3A_79 = arith.index_cast %scan3A_70 : i32 to index
      %swap3A_80 = arith.constant 96 : index
      %swap3A_81 = tpu.vector_load %arg10[%swap3A_79, %swap3A_80] {strides = array<i32>} : memref<128x128xbf16, #tpu.memory_space<vmem>>, vector<32xbf16>,
      tpu.vector_store %arg10[%swap3A_79, %swap3A_80], %broadcast_in_dim3A_5 {strides = array<i32>} : memref<128x128xbf16, #tpu.memory_space<vmem>>, vector<32xbf16>,
    }
    %scan3A_19 = arith.constant 128 : i32
    %add3A_20 = arith.constant 0 : i32
    %add3A_21 = arith.addi %mul3A_2, %add3A_20 : i32
    "tpu.region"() ({
      %run_scoped3A_70 = tpu.sem_alloc : memref<!tpu.dma_semaphore, #tpu.memory_space<semaphore_mem>>
      %dma_start3A_71 = arith.constant 0 : i32
      %dma_start3A_72 = arith.constant 0 : i32
      %dma_start3A_73 = tpu.memref_slice %arg10[%dma_start3A_71, %dma_start3A_72] : memref<128x128xbf16, #tpu.memory_space<vmem>> -> memref<128x128xbf16, #tpu.memory_space<vmem>>
      %dma_start3A_74 = arith.constant 0 : i32
      %dma_start3A_75 = tpu.memref_slice %arg17[%add3A_21, %dma_start3A_74] : memref<10240x128xbf16, #tpu.memory_space<vmem_shared>> -> memref<128x128xbf16, #tpu.memory_space<vmem_shared>>
      %dma_start3A_76 = arith.constant 0 : i32
      %dma_start3A_77 = tpu.memref_slice %arg17[%add3A_21, %dma_start3A_76] : memref<10240x128xbf16, #tpu.memory_space<vmem_shared>> -> memref<128x128xbf16, #tpu.memory_space<vmem_shared>>
      %dma_start3A_78 = arith.constant 0 : i32
      %dma_start3A_79 = arith.constant 0 : i32
      %dma_start3A_80 = tpu.memref_slice %arg10[%dma_start3A_78, %dma_start3A_79] : memref<128x128xbf16, #tpu.memory_space<vmem>> -> memref<128x128xbf16, #tpu.memory_space<vmem>>
      tpu.enqueue_dma source(%dma_start3A_80 : memref<128x128xbf16, #tpu.memory_space<vmem>>) target(%dma_start3A_77 : memref<128x128xbf16, #tpu.memory_space<vmem_shared>>) target_semaphore(%run_scoped3A_70 : memref<!tpu.dma_semaphore, #tpu.memory_space<semaphore_mem>>)
      %dma_wait3A = arith.constant 0 : i32
      %dma_wait3A_81 = arith.constant 0 : i32
      %dma_wait3A_82 = tpu.memref_slice %arg10[%dma_wait3A, %dma_wait3A_81] : memref<128x128xbf16, #tpu.memory_space<vmem>> -> memref<128x128xbf16, #tpu.memory_space<vmem>>
      %dma_wait3A_83 = arith.constant 0 : i32
      %dma_wait3A_84 = tpu.memref_slice %arg17[%add3A_21, %dma_wait3A_83] : memref<10240x128xbf16, #tpu.memory_space<vmem_shared>> -> memref<128x128xbf16, #tpu.memory_space<vmem_shared>>
      %dma_wait3A_85 = arith.constant 0 : i32
      %dma_wait3A_86 = tpu.memref_slice %arg17[%add3A_21, %dma_wait3A_85] : memref<10240x128xbf16, #tpu.memory_space<vmem_shared>> -> memref<128x128xbf16, #tpu.memory_space<vmem_shared>>
      %dma_wait3A_87 = arith.constant 0 : i32
      %dma_wait3A_88 = arith.constant 0 : i32
      %dma_wait3A_89 = tpu.memref_slice %arg10[%dma_wait3A_87, %dma_wait3A_88] : memref<128x128xbf16, #tpu.memory_space<vmem>> -> memref<128x128xbf16, #tpu.memory_space<vmem>>
      tpu.wait_dma2 semaphore(%run_scoped3A_70 : memref<!tpu.dma_semaphore, #tpu.memory_space<semaphore_mem>>) src(%dma_wait3A_89 : memref<128x128xbf16, #tpu.memory_space<vmem>>) dst(%dma_wait3A_86 : memref<128x128xbf16, #tpu.memory_space<vmem_shared>>)
      tpu.yield
    }) : () -> ()
    %add3A_22 = arith.constant 128 : i32
    %add3A_23 = arith.addi %mul3A_2, %add3A_22 : i32
    "tpu.region"() ({
      %run_scoped3A_70 = tpu.sem_alloc : memref<!tpu.dma_semaphore, #tpu.memory_space<semaphore_mem>>
      %dma_start3A_71 = arith.constant 0 : i32
      %dma_start3A_72 = arith.constant 0 : i32
      %dma_start3A_73 = tpu.memref_slice %arg10[%dma_start3A_71, %dma_start3A_72] : memref<128x128xbf16, #tpu.memory_space<vmem>> -> memref<128x128xbf16, #tpu.memory_space<vmem>>
      %dma_start3A_74 = arith.constant 0 : i32
      %dma_start3A_75 = tpu.memref_slice %arg17[%add3A_23, %dma_start3A_74] : memref<10240x128xbf16, #tpu.memory_space<vmem_shared>> -> memref<128x128xbf16, #tpu.memory_space<vmem_shared>>
      %dma_start3A_76 = arith.constant 0 : i32
      %dma_start3A_77 = tpu.memref_slice %arg17[%add3A_23, %dma_start3A_76] : memref<10240x128xbf16, #tpu.memory_space<vmem_shared>> -> memref<128x128xbf16, #tpu.memory_space<vmem_shared>>
      %dma_start3A_78 = arith.constant 0 : i32
      %dma_start3A_79 = arith.constant 0 : i32
      %dma_start3A_80 = tpu.memref_slice %arg10[%dma_start3A_78, %dma_start3A_79] : memref<128x128xbf16, #tpu.memory_space<vmem>> -> memref<128x128xbf16, #tpu.memory_space<vmem>>
      tpu.enqueue_dma source(%dma_start3A_80 : memref<128x128xbf16, #tpu.memory_space<vmem>>) target(%dma_start3A_77 : memref<128x128xbf16, #tpu.memory_space<vmem_shared>>) target_semaphore(%run_scoped3A_70 : memref<!tpu.dma_semaphore, #tpu.memory_space<semaphore_mem>>)
      %dma_wait3A = arith.constant 0 : i32
      %dma_wait3A_81 = arith.constant 0 : i32
      %dma_wait3A_82 = tpu.memref_slice %arg10[%dma_wait3A, %dma_wait3A_81] : memref<128x128xbf16, #tpu.memory_space<vmem>> -> memref<128x128xbf16, #tpu.memory_space<vmem>>
      %dma_wait3A_83 = arith.constant 0 : i32
      %dma_wait3A_84 = tpu.memref_slice %arg17[%add3A_23, %dma_wait3A_83] : memref<10240x128xbf16, #tpu.memory_space<vmem_shared>> -> memref<128x128xbf16, #tpu.memory_space<vmem_shared>>
      %dma_wait3A_85 = arith.constant 0 : i32
      %dma_wait3A_86 = tpu.memref_slice %arg17[%add3A_23, %dma_wait3A_85] : memref<10240x128xbf16, #tpu.memory_space<vmem_shared>> -> memref<128x128xbf16, #tpu.memory_space<vmem_shared>>
      %dma_wait3A_87 = arith.constant 0 : i32
      %dma_wait3A_88 = arith.constant 0 : i32
      %dma_wait3A_89 = tpu.memref_slice %arg10[%dma_wait3A_87, %dma_wait3A_88] : memref<128x128xbf16, #tpu.memory_space<vmem>> -> memref<128x128xbf16, #tpu.memory_space<vmem>>
      tpu.wait_dma2 semaphore(%run_scoped3A_70 : memref<!tpu.dma_semaphore, #tpu.memory_space<semaphore_mem>>) src(%dma_wait3A_89 : memref<128x128xbf16, #tpu.memory_space<vmem>>) dst(%dma_wait3A_86 : memref<128x128xbf16, #tpu.memory_space<vmem_shared>>)
      tpu.yield
    }) : () -> ()
    %add3A_24 = arith.constant 256 : i32
    %add3A_25 = arith.addi %mul3A_2, %add3A_24 : i32
    "tpu.region"() ({
      %run_scoped3A_70 = tpu.sem_alloc : memref<!tpu.dma_semaphore, #tpu.memory_space<semaphore_mem>>
      %dma_start3A_71 = arith.constant 0 : i32
      %dma_start3A_72 = arith.constant 0 : i32
      %dma_start3A_73 = tpu.memref_slice %arg10[%dma_start3A_71, %dma_start3A_72] : memref<128x128xbf16, #tpu.memory_space<vmem>> -> memref<128x128xbf16, #tpu.memory_space<vmem>>
      %dma_start3A_74 = arith.constant 0 : i32
      %dma_start3A_75 = tpu.memref_slice %arg17[%add3A_25, %dma_start3A_74] : memref<10240x128xbf16, #tpu.memory_space<vmem_shared>> -> memref<128x128xbf16, #tpu.memory_space<vmem_shared>>
      %dma_start3A_76 = arith.constant 0 : i32
      %dma_start3A_77 = tpu.memref_slice %arg17[%add3A_25, %dma_start3A_76] : memref<10240x128xbf16, #tpu.memory_space<vmem_shared>> -> memref<128x128xbf16, #tpu.memory_space<vmem_shared>>
      %dma_start3A_78 = arith.constant 0 : i32
      %dma_start3A_79 = arith.constant 0 : i32
      %dma_start3A_80 = tpu.memref_slice %arg10[%dma_start3A_78, %dma_start3A_79] : memref<128x128xbf16, #tpu.memory_space<vmem>> -> memref<128x128xbf16, #tpu.memory_space<vmem>>
      tpu.enqueue_dma source(%dma_start3A_80 : memref<128x128xbf16, #tpu.memory_space<vmem>>) target(%dma_start3A_77 : memref<128x128xbf16, #tpu.memory_space<vmem_shared>>) target_semaphore(%run_scoped3A_70 : memref<!tpu.dma_semaphore, #tpu.memory_space<semaphore_mem>>)
      %dma_wait3A = arith.constant 0 : i32
      %dma_wait3A_81 = arith.constant 0 : i32
      %dma_wait3A_82 = tpu.memref_slice %arg10[%dma_wait3A, %dma_wait3A_81] : memref<128x128xbf16, #tpu.memory_space<vmem>> -> memref<128x128xbf16, #tpu.memory_space<vmem>>
      %dma_wait3A_83 = arith.constant 0 : i32
      %dma_wait3A_84 = tpu.memref_slice %arg17[%add3A_25, %dma_wait3A_83] : memref<10240x128xbf16, #tpu.memory_space<vmem_shared>> -> memref<128x128xbf16, #tpu.memory_space<vmem_shared>>
      %dma_wait3A_85 = arith.constant 0 : i32
      %dma_wait3A_86 = tpu.memref_slice %arg17[%add3A_25, %dma_wait3A_85] : memref<10240x128xbf16, #tpu.memory_space<vmem_shared>> -> memref<128x128xbf16, #tpu.memory_space<vmem_shared>>
      %dma_wait3A_87 = arith.constant 0 : i32
      %dma_wait3A_88 = arith.constant 0 : i32
      %dma_wait3A_89 = tpu.memref_slice %arg10[%dma_wait3A_87, %dma_wait3A_88] : memref<128x128xbf16, #tpu.memory_space<vmem>> -> memref<128x128xbf16, #tpu.memory_space<vmem>>
      tpu.wait_dma2 semaphore(%run_scoped3A_70 : memref<!tpu.dma_semaphore, #tpu.memory_space<semaphore_mem>>) src(%dma_wait3A_89 : memref<128x128xbf16, #tpu.memory_space<vmem>>) dst(%dma_wait3A_86 : memref<128x128xbf16, #tpu.memory_space<vmem_shared>>)
      tpu.yield
    }) : () -> ()
    %add3A_26 = arith.constant 384 : i32
    %add3A_27 = arith.addi %mul3A_2, %add3A_26 : i32
    "tpu.region"() ({
      %run_scoped3A_70 = tpu.sem_alloc : memref<!tpu.dma_semaphore, #tpu.memory_space<semaphore_mem>>
      %dma_start3A_71 = arith.constant 0 : i32
      %dma_start3A_72 = arith.constant 0 : i32
      %dma_start3A_73 = tpu.memref_slice %arg10[%dma_start3A_71, %dma_start3A_72] : memref<128x128xbf16, #tpu.memory_space<vmem>> -> memref<128x128xbf16, #tpu.memory_space<vmem>>
      %dma_start3A_74 = arith.constant 0 : i32
      %dma_start3A_75 = tpu.memref_slice %arg17[%add3A_27, %dma_start3A_74] : memref<10240x128xbf16, #tpu.memory_space<vmem_shared>> -> memref<128x128xbf16, #tpu.memory_space<vmem_shared>>
      %dma_start3A_76 = arith.constant 0 : i32
      %dma_start3A_77 = tpu.memref_slice %arg17[%add3A_27, %dma_start3A_76] : memref<10240x128xbf16, #tpu.memory_space<vmem_shared>> -> memref<128x128xbf16, #tpu.memory_space<vmem_shared>>
      %dma_start3A_78 = arith.constant 0 : i32
      %dma_start3A_79 = arith.constant 0 : i32
      %dma_start3A_80 = tpu.memref_slice %arg10[%dma_start3A_78, %dma_start3A_79] : memref<128x128xbf16, #tpu.memory_space<vmem>> -> memref<128x128xbf16, #tpu.memory_space<vmem>>
      tpu.enqueue_dma source(%dma_start3A_80 : memref<128x128xbf16, #tpu.memory_space<vmem>>) target(%dma_start3A_77 : memref<128x128xbf16, #tpu.memory_space<vmem_shared>>) target_semaphore(%run_scoped3A_70 : memref<!tpu.dma_semaphore, #tpu.memory_space<semaphore_mem>>)
      %dma_wait3A = arith.constant 0 : i32
      %dma_wait3A_81 = arith.constant 0 : i32
      %dma_wait3A_82 = tpu.memref_slice %arg10[%dma_wait3A, %dma_wait3A_81] : memref<128x128xbf16, #tpu.memory_space<vmem>> -> memref<128x128xbf16, #tpu.memory_space<vmem>>
      %dma_wait3A_83 = arith.constant 0 : i32
      %dma_wait3A_84 = tpu.memref_slice %arg17[%add3A_27, %dma_wait3A_83] : memref<10240x128xbf16, #tpu.memory_space<vmem_shared>> -> memref<128x128xbf16, #tpu.memory_space<vmem_shared>>
      %dma_wait3A_85 = arith.constant 0 : i32
      %dma_wait3A_86 = tpu.memref_slice %arg17[%add3A_27, %dma_wait3A_85] : memref<10240x128xbf16, #tpu.memory_space<vmem_shared>> -> memref<128x128xbf16, #tpu.memory_space<vmem_shared>>
      %dma_wait3A_87 = arith.constant 0 : i32
      %dma_wait3A_88 = arith.constant 0 : i32
      %dma_wait3A_89 = tpu.memref_slice %arg10[%dma_wait3A_87, %dma_wait3A_88] : memref<128x128xbf16, #tpu.memory_space<vmem>> -> memref<128x128xbf16, #tpu.memory_space<vmem>>
      tpu.wait_dma2 semaphore(%run_scoped3A_70 : memref<!tpu.dma_semaphore, #tpu.memory_space<semaphore_mem>>) src(%dma_wait3A_89 : memref<128x128xbf16, #tpu.memory_space<vmem>>) dst(%dma_wait3A_86 : memref<128x128xbf16, #tpu.memory_space<vmem_shared>>)
      tpu.yield
    }) : () -> ()
    %add3A_28 = arith.constant 512 : i32
    %add3A_29 = arith.addi %mul3A_2, %add3A_28 : i32
    "tpu.region"() ({
      %run_scoped3A_70 = tpu.sem_alloc : memref<!tpu.dma_semaphore, #tpu.memory_space<semaphore_mem>>
      %dma_start3A_71 = arith.constant 0 : i32
      %dma_start3A_72 = arith.constant 0 : i32
      %dma_start3A_73 = tpu.memref_slice %arg10[%dma_start3A_71, %dma_start3A_72] : memref<128x128xbf16, #tpu.memory_space<vmem>> -> memref<128x128xbf16, #tpu.memory_space<vmem>>
      %dma_start3A_74 = arith.constant 0 : i32
      %dma_start3A_75 = tpu.memref_slice %arg17[%add3A_29, %dma_start3A_74] : memref<10240x128xbf16, #tpu.memory_space<vmem_shared>> -> memref<128x128xbf16, #tpu.memory_space<vmem_shared>>
      %dma_start3A_76 = arith.constant 0 : i32
      %dma_start3A_77 = tpu.memref_slice %arg17[%add3A_29, %dma_start3A_76] : memref<10240x128xbf16, #tpu.memory_space<vmem_shared>> -> memref<128x128xbf16, #tpu.memory_space<vmem_shared>>
      %dma_start3A_78 = arith.constant 0 : i32
      %dma_start3A_79 = arith.constant 0 : i32
      %dma_start3A_80 = tpu.memref_slice %arg10[%dma_start3A_78, %dma_start3A_79] : memref<128x128xbf16, #tpu.memory_space<vmem>> -> memref<128x128xbf16, #tpu.memory_space<vmem>>
      tpu.enqueue_dma source(%dma_start3A_80 : memref<128x128xbf16, #tpu.memory_space<vmem>>) target(%dma_start3A_77 : memref<128x128xbf16, #tpu.memory_space<vmem_shared>>) target_semaphore(%run_scoped3A_70 : memref<!tpu.dma_semaphore, #tpu.memory_space<semaphore_mem>>)
      %dma_wait3A = arith.constant 0 : i32
      %dma_wait3A_81 = arith.constant 0 : i32
      %dma_wait3A_82 = tpu.memref_slice %arg10[%dma_wait3A, %dma_wait3A_81] : memref<128x128xbf16, #tpu.memory_space<vmem>> -> memref<128x128xbf16, #tpu.memory_space<vmem>>
      %dma_wait3A_83 = arith.constant 0 : i32
      %dma_wait3A_84 = tpu.memref_slice %arg17[%add3A_29, %dma_wait3A_83] : memref<10240x128xbf16, #tpu.memory_space<vmem_shared>> -> memref<128x128xbf16, #tpu.memory_space<vmem_shared>>
      %dma_wait3A_85 = arith.constant 0 : i32
      %dma_wait3A_86 = tpu.memref_slice %arg17[%add3A_29, %dma_wait3A_85] : memref<10240x128xbf16, #tpu.memory_space<vmem_shared>> -> memref<128x128xbf16, #tpu.memory_space<vmem_shared>>
      %dma_wait3A_87 = arith.constant 0 : i32
      %dma_wait3A_88 = arith.constant 0 : i32
      %dma_wait3A_89 = tpu.memref_slice %arg10[%dma_wait3A_87, %dma_wait3A_88] : memref<128x128xbf16, #tpu.memory_space<vmem>> -> memref<128x128xbf16, #tpu.memory_space<vmem>>
      tpu.wait_dma2 semaphore(%run_scoped3A_70 : memref<!tpu.dma_semaphore, #tpu.memory_space<semaphore_mem>>) src(%dma_wait3A_89 : memref<128x128xbf16, #tpu.memory_space<vmem>>) dst(%dma_wait3A_86 : memref<128x128xbf16, #tpu.memory_space<vmem_shared>>)
      tpu.yield
    }) : () -> ()
    %barrier3A = arith.constant 0 : index
    tpu.barrier barrier_id(%barrier3A)
    %dma_start3A = arith.constant 0 : i32
    %dma_start3A_30 = arith.constant 0 : i32
    %dma_start3A_31 = tpu.memref_slice %arg8[%dma_start3A, %dma_start3A_30] : memref<80x128xi32, #tpu.memory_space<vmem>> -> memref<1x128xi32, #tpu.memory_space<vmem>>
    %dma_start3A_32 = tpu.memref_squeeze %dma_start3A_31 : memref<1x128xi32, #tpu.memory_space<vmem>> -> memref<128xi32, #tpu.memory_space<vmem>>
    %dma_start3A_33 = arith.constant 0 : i32
    %dma_start3A_34 = arith.constant 0 : i32
    %dma_start3A_35 = tpu.memref_slice %arg2[%dma_start3A_33, %dma_start3A_34] : memref<10016x128xbf16, #tpu.memory_space<hbm>> -> memref<10016x128xbf16, #tpu.memory_space<hbm>>
    tpu.enqueue_indirect_dma source(%dma_start3A_35 : memref<10016x128xbf16, #tpu.memory_space<hbm>>) target(%arg10 : memref<128x128xbf16, #tpu.memory_space<vmem>>) offsets(%dma_start3A_32 : memref<128xi32, #tpu.memory_space<vmem>>) semaphore(%arg18 : memref<!tpu.dma_semaphore, #tpu.memory_space<semaphore_mem>>)
    %dma_start3A_36 = arith.constant 0 : i32
    %dma_start3A_37 = arith.constant 0 : i32
    %dma_start3A_38 = tpu.memref_slice %arg9[%dma_start3A_36, %dma_start3A_37] : memref<80x128xi32, #tpu.memory_space<vmem>> -> memref<1x128xi32, #tpu.memory_space<vmem>>
    %dma_start3A_39 = tpu.memref_squeeze %dma_start3A_38 : memref<1x128xi32, #tpu.memory_space<vmem>> -> memref<128xi32, #tpu.memory_space<vmem>>
    %dma_start3A_40 = arith.constant 0 : i32
    %dma_start3A_41 = arith.constant 0 : i32
    %dma_start3A_42 = tpu.memref_slice %arg3[%dma_start3A_40, %dma_start3A_41] : memref<10016x128xbf16, #tpu.memory_space<hbm>> -> memref<10016x128xbf16, #tpu.memory_space<hbm>>
    tpu.enqueue_indirect_dma source(%dma_start3A_42 : memref<10016x128xbf16, #tpu.memory_space<hbm>>) target(%arg11 : memref<128x128xbf16, #tpu.memory_space<vmem>>) offsets(%dma_start3A_39 : memref<128xi32, #tpu.memory_space<vmem>>) semaphore(%arg18 : memref<!tpu.dma_semaphore, #tpu.memory_space<semaphore_mem>>)
    %mul3A_43 = arith.constant 80 : i32
    %mul3A_44 = arith.muli %add3A, %mul3A_43 : i32
    %mul3A_45 = arith.constant 128 : i32
    %mul3A_46 = arith.muli %mul3A_44, %mul3A_45 : i32
    %add3A_47 = arith.constant 0 : i32
    %add3A_48 = arith.addi %mul3A_46, %add3A_47 : i32
    %dma_start3A_49 = arith.constant 0 : i32
    %dma_start3A_50 = tpu.memref_slice %arg4[%add3A_48, %dma_start3A_49] : memref<327680x128xbf16, #tpu.memory_space<hbm>> -> memref<128x128xbf16, #tpu.memory_space<hbm>>
    %dma_start3A_51 = arith.constant 0 : i32
    %dma_start3A_52 = tpu.memref_slice %arg4[%add3A_48, %dma_start3A_51] : memref<327680x128xbf16, #tpu.memory_space<hbm>> -> memref<128x128xbf16, #tpu.memory_space<hbm>>
    tpu.enqueue_dma source(%dma_start3A_52 : memref<128x128xbf16, #tpu.memory_space<hbm>>) target(%arg12 : memref<128x128xbf16, #tpu.memory_space<vmem>>) target_semaphore(%arg18 : memref<!tpu.dma_semaphore, #tpu.memory_space<semaphore_mem>>)
    %scan3A_53 = arith.constant 0 : i32
    %scan3A_54 = arith.constant 0 : i32
    %scan3A_55 = arith.constant 40 : i32
    %scan3A_56 = arith.addi %scan3A_54, %scan3A_55 : i32
    %scan3A_57 = arith.constant 1 : i32
    scf.for %scan3A_70 = %scan3A_54 to %scan3A_56 step %scan3A_57  : i32 {
      %mul3A_71 = arith.constant 2 : i32
      %mul3A_72 = arith.muli %scan3A_70, %mul3A_71 : i32
      %add3A_73 = arith.constant 0 : i32
      %add3A_74 = arith.addi %mul3A_72, %add3A_73 : i32
      %add3A_75 = arith.constant 2 : i32
      %add3A_76 = arith.addi %add3A_74, %add3A_75 : i32
      %sub3A = arith.constant 1 : i32
      %sub3A_77 = arith.subi %add3A_76, %sub3A : i32
      %lt3A = arith.constant 80 : i32
      %lt3A_78 = arith.cmpi slt, %sub3A_77, %lt3A : i32
      %convert_element_type3A = arith.extui %lt3A_78 : i1 to i32
      %cond3A = arith.constant 0 : i32
      %cond3A_79 = arith.cmpi ne, %convert_element_type3A, %cond3A : i32
      scf.if %cond3A_79 {
        %dma_start3A_162 = arith.constant 0 : i32
        %dma_start3A_163 = tpu.memref_slice %arg8[%sub3A_77, %dma_start3A_162] : memref<80x128xi32, #tpu.memory_space<vmem>> -> memref<1x128xi32, #tpu.memory_space<vmem>>
        %dma_start3A_164 = tpu.memref_squeeze %dma_start3A_163 : memref<1x128xi32, #tpu.memory_space<vmem>> -> memref<128xi32, #tpu.memory_space<vmem>>
        %dma_start3A_165 = arith.constant 0 : i32
        %dma_start3A_166 = arith.constant 0 : i32
        %dma_start3A_167 = tpu.memref_slice %arg2[%dma_start3A_165, %dma_start3A_166] : memref<10016x128xbf16, #tpu.memory_space<hbm>> -> memref<10016x128xbf16, #tpu.memory_space<hbm>>
        tpu.enqueue_indirect_dma source(%dma_start3A_167 : memref<10016x128xbf16, #tpu.memory_space<hbm>>) target(%arg13 : memref<128x128xbf16, #tpu.memory_space<vmem>>) offsets(%dma_start3A_164 : memref<128xi32, #tpu.memory_space<vmem>>) semaphore(%arg19 : memref<!tpu.dma_semaphore, #tpu.memory_space<semaphore_mem>>)
        %dma_start3A_168 = arith.constant 0 : i32
        %dma_start3A_169 = tpu.memref_slice %arg9[%sub3A_77, %dma_start3A_168] : memref<80x128xi32, #tpu.memory_space<vmem>> -> memref<1x128xi32, #tpu.memory_space<vmem>>
        %dma_start3A_170 = tpu.memref_squeeze %dma_start3A_169 : memref<1x128xi32, #tpu.memory_space<vmem>> -> memref<128xi32, #tpu.memory_space<vmem>>
        %dma_start3A_171 = arith.constant 0 : i32
        %dma_start3A_172 = arith.constant 0 : i32
        %dma_start3A_173 = tpu.memref_slice %arg3[%dma_start3A_171, %dma_start3A_172] : memref<10016x128xbf16, #tpu.memory_space<hbm>> -> memref<10016x128xbf16, #tpu.memory_space<hbm>>
        tpu.enqueue_indirect_dma source(%dma_start3A_173 : memref<10016x128xbf16, #tpu.memory_space<hbm>>) target(%arg14 : memref<128x128xbf16, #tpu.memory_space<vmem>>) offsets(%dma_start3A_170 : memref<128xi32, #tpu.memory_space<vmem>>) semaphore(%arg19 : memref<!tpu.dma_semaphore, #tpu.memory_space<semaphore_mem>>)
        %mul3A_174 = arith.constant 80 : i32
        %mul3A_175 = arith.muli %add3A, %mul3A_174 : i32
        %mul3A_176 = arith.constant 128 : i32
        %mul3A_177 = arith.muli %mul3A_175, %mul3A_176 : i32
        %mul3A_178 = arith.constant 128 : i32
        %mul3A_179 = arith.muli %sub3A_77, %mul3A_178 : i32
        %add3A_180 = arith.addi %mul3A_177, %mul3A_179 : i32
        %dma_start3A_181 = arith.constant 0 : i32
        %dma_start3A_182 = tpu.memref_slice %arg4[%add3A_180, %dma_start3A_181] : memref<327680x128xbf16, #tpu.memory_space<hbm>> -> memref<128x128xbf16, #tpu.memory_space<hbm>>
        %dma_start3A_183 = arith.constant 0 : i32
        %dma_start3A_184 = tpu.memref_slice %arg4[%add3A_180, %dma_start3A_183] : memref<327680x128xbf16, #tpu.memory_space<hbm>> -> memref<128x128xbf16, #tpu.memory_space<hbm>>
        tpu.enqueue_dma source(%dma_start3A_184 : memref<128x128xbf16, #tpu.memory_space<hbm>>) target(%arg15 : memref<128x128xbf16, #tpu.memory_space<vmem>>) target_semaphore(%arg19 : memref<!tpu.dma_semaphore, #tpu.memory_space<semaphore_mem>>)
      } else {
      }
      %dma_wait3A = arith.constant 0 : i32
      %dma_wait3A_80 = tpu.memref_slice %arg8[%add3A_74, %dma_wait3A] : memref<80x128xi32, #tpu.memory_space<vmem>> -> memref<1x128xi32, #tpu.memory_space<vmem>>
      %dma_wait3A_81 = tpu.memref_squeeze %dma_wait3A_80 : memref<1x128xi32, #tpu.memory_space<vmem>> -> memref<128xi32, #tpu.memory_space<vmem>>
      %dma_wait3A_82 = arith.constant 0 : i32
      %dma_wait3A_83 = arith.constant 0 : i32
      %dma_wait3A_84 = tpu.memref_slice %arg2[%dma_wait3A_82, %dma_wait3A_83] : memref<10016x128xbf16, #tpu.memory_space<hbm>> -> memref<10016x128xbf16, #tpu.memory_space<hbm>>
      tpu.wait_indirect_dma semaphore(%arg18 : memref<!tpu.dma_semaphore, #tpu.memory_space<semaphore_mem>>) src(%dma_wait3A_84 : memref<10016x128xbf16, #tpu.memory_space<hbm>>) dst(%arg10 : memref<128x128xbf16, #tpu.memory_space<vmem>>)
      %dma_wait3A_85 = arith.constant 0 : i32
      %dma_wait3A_86 = tpu.memref_slice %arg9[%add3A_74, %dma_wait3A_85] : memref<80x128xi32, #tpu.memory_space<vmem>> -> memref<1x128xi32, #tpu.memory_space<vmem>>
      %dma_wait3A_87 = tpu.memref_squeeze %dma_wait3A_86 : memref<1x128xi32, #tpu.memory_space<vmem>> -> memref<128xi32, #tpu.memory_space<vmem>>
      %dma_wait3A_88 = arith.constant 0 : i32
      %dma_wait3A_89 = arith.constant 0 : i32
      %dma_wait3A_90 = tpu.memref_slice %arg3[%dma_wait3A_88, %dma_wait3A_89] : memref<10016x128xbf16, #tpu.memory_space<hbm>> -> memref<10016x128xbf16, #tpu.memory_space<hbm>>
      tpu.wait_indirect_dma semaphore(%arg18 : memref<!tpu.dma_semaphore, #tpu.memory_space<semaphore_mem>>) src(%dma_wait3A_90 : memref<10016x128xbf16, #tpu.memory_space<hbm>>) dst(%arg11 : memref<128x128xbf16, #tpu.memory_space<vmem>>)
      %mul3A_91 = arith.constant 80 : i32
      %mul3A_92 = arith.muli %add3A, %mul3A_91 : i32
      %mul3A_93 = arith.constant 128 : i32
      %mul3A_94 = arith.muli %mul3A_92, %mul3A_93 : i32
      %mul3A_95 = arith.constant 128 : i32
      %mul3A_96 = arith.muli %add3A_74, %mul3A_95 : i32
      %add3A_97 = arith.addi %mul3A_94, %mul3A_96 : i32
      %dma_wait3A_98 = arith.constant 0 : i32
      %dma_wait3A_99 = tpu.memref_slice %arg4[%add3A_97, %dma_wait3A_98] : memref<327680x128xbf16, #tpu.memory_space<hbm>> -> memref<128x128xbf16, #tpu.memory_space<hbm>>
      %dma_wait3A_100 = arith.constant 0 : i32
      %dma_wait3A_101 = tpu.memref_slice %arg4[%add3A_97, %dma_wait3A_100] : memref<327680x128xbf16, #tpu.memory_space<hbm>> -> memref<128x128xbf16, #tpu.memory_space<hbm>>
      tpu.wait_dma2 semaphore(%arg18 : memref<!tpu.dma_semaphore, #tpu.memory_space<semaphore_mem>>) src(%dma_wait3A_101 : memref<128x128xbf16, #tpu.memory_space<hbm>>) dst(%arg12 : memref<128x128xbf16, #tpu.memory_space<vmem>>)
      %scan3A_102 = arith.constant 0 : i32
      %scan3A_103 = arith.constant 0 : i32
      %scan3A_104 = arith.constant 128 : i32
      %scan3A_105 = arith.addi %scan3A_103, %scan3A_104 : i32
      %scan3A_106 = arith.constant 1 : i32
      scf.for %scan3A_162 = %scan3A_103 to %scan3A_105 step %scan3A_106  : i32 {
        %get3A = arith.index_cast %scan3A_162 : i32 to index
        %get3A_163 = arith.constant 0 : index
        %get3A_164 = tpu.vector_load %arg10[%get3A, %get3A_163] {strides = array<i32>} : memref<128x128xbf16, #tpu.memory_space<vmem>>, vector<32xbf16>,
        %get3A_165 = arith.index_cast %scan3A_162 : i32 to index
        %get3A_166 = arith.constant 0 : index
        %get3A_167 = tpu.vector_load %arg11[%get3A_165, %get3A_166] {strides = array<i32>} : memref<128x128xbf16, #tpu.memory_space<vmem>>, vector<32xbf16>,
        %add3A_168 = arith.addf %get3A_164, %get3A_167 : vector<32xbf16>
        %get3A_169 = arith.index_cast %scan3A_162 : i32 to index
        %get3A_170 = arith.constant 0 : index
        %get3A_171 = tpu.vector_load %arg12[%get3A_169, %get3A_170] {strides = array<i32>} : memref<128x128xbf16, #tpu.memory_space<vmem>>, vector<32xbf16>,
        %add3A_172 = arith.addf %add3A_168, %get3A_171 : vector<32xbf16>
        %max3A = arith.constant 0.000000e+00 : bf16
        %max3A_173 = vector.broadcast %max3A : bf16 to vector<32xbf16>
        %max3A_174 = arith.maximumf %add3A_172, %max3A_173 : vector<32xbf16>
        %swap3A = arith.index_cast %scan3A_162 : i32 to index
        %swap3A_175 = arith.constant 0 : index
        %swap3A_176 = tpu.vector_load %arg10[%swap3A, %swap3A_175] {strides = array<i32>} : memref<128x128xbf16, #tpu.memory_space<vmem>>, vector<32xbf16>,
        tpu.vector_store %arg10[%swap3A, %swap3A_175], %max3A_174 {strides = array<i32>} : memref<128x128xbf16, #tpu.memory_space<vmem>>, vector<32xbf16>,
        %get3A_177 = arith.index_cast %scan3A_162 : i32 to index
        %get3A_178 = arith.constant 32 : index
        %get3A_179 = tpu.vector_load %arg10[%get3A_177, %get3A_178] {strides = array<i32>} : memref<128x128xbf16, #tpu.memory_space<vmem>>, vector<32xbf16>,
        %get3A_180 = arith.index_cast %scan3A_162 : i32 to index
        %get3A_181 = arith.constant 32 : index
        %get3A_182 = tpu.vector_load %arg11[%get3A_180, %get3A_181] {strides = array<i32>} : memref<128x128xbf16, #tpu.memory_space<vmem>>, vector<32xbf16>,
        %add3A_183 = arith.addf %get3A_179, %get3A_182 : vector<32xbf16>
        %get3A_184 = arith.index_cast %scan3A_162 : i32 to index
        %get3A_185 = arith.constant 32 : index
        %get3A_186 = tpu.vector_load %arg12[%get3A_184, %get3A_185] {strides = array<i32>} : memref<128x128xbf16, #tpu.memory_space<vmem>>, vector<32xbf16>,
        %add3A_187 = arith.addf %add3A_183, %get3A_186 : vector<32xbf16>
        %max3A_188 = arith.constant 0.000000e+00 : bf16
        %max3A_189 = vector.broadcast %max3A_188 : bf16 to vector<32xbf16>
        %max3A_190 = arith.maximumf %add3A_187, %max3A_189 : vector<32xbf16>
        %swap3A_191 = arith.index_cast %scan3A_162 : i32 to index
        %swap3A_192 = arith.constant 32 : index
        %swap3A_193 = tpu.vector_load %arg10[%swap3A_191, %swap3A_192] {strides = array<i32>} : memref<128x128xbf16, #tpu.memory_space<vmem>>, vector<32xbf16>,
        tpu.vector_store %arg10[%swap3A_191, %swap3A_192], %max3A_190 {strides = array<i32>} : memref<128x128xbf16, #tpu.memory_space<vmem>>, vector<32xbf16>,
        %get3A_194 = arith.index_cast %scan3A_162 : i32 to index
        %get3A_195 = arith.constant 64 : index
        %get3A_196 = tpu.vector_load %arg10[%get3A_194, %get3A_195] {strides = array<i32>} : memref<128x128xbf16, #tpu.memory_space<vmem>>, vector<32xbf16>,
        %get3A_197 = arith.index_cast %scan3A_162 : i32 to index
        %get3A_198 = arith.constant 64 : index
        %get3A_199 = tpu.vector_load %arg11[%get3A_197, %get3A_198] {strides = array<i32>} : memref<128x128xbf16, #tpu.memory_space<vmem>>, vector<32xbf16>,
        %add3A_200 = arith.addf %get3A_196, %get3A_199 : vector<32xbf16>
        %get3A_201 = arith.index_cast %scan3A_162 : i32 to index
        %get3A_202 = arith.constant 64 : index
        %get3A_203 = tpu.vector_load %arg12[%get3A_201, %get3A_202] {strides = array<i32>} : memref<128x128xbf16, #tpu.memory_space<vmem>>, vector<32xbf16>,
        %add3A_204 = arith.addf %add3A_200, %get3A_203 : vector<32xbf16>
        %max3A_205 = arith.constant 0.000000e+00 : bf16
        %max3A_206 = vector.broadcast %max3A_205 : bf16 to vector<32xbf16>
        %max3A_207 = arith.maximumf %add3A_204, %max3A_206 : vector<32xbf16>
        %swap3A_208 = arith.index_cast %scan3A_162 : i32 to index
        %swap3A_209 = arith.constant 64 : index
        %swap3A_210 = tpu.vector_load %arg10[%swap3A_208, %swap3A_209] {strides = array<i32>} : memref<128x128xbf16, #tpu.memory_space<vmem>>, vector<32xbf16>,
        tpu.vector_store %arg10[%swap3A_208, %swap3A_209], %max3A_207 {strides = array<i32>} : memref<128x128xbf16, #tpu.memory_space<vmem>>, vector<32xbf16>,
        %get3A_211 = arith.index_cast %scan3A_162 : i32 to index
        %get3A_212 = arith.constant 96 : index
        %get3A_213 = tpu.vector_load %arg10[%get3A_211, %get3A_212] {strides = array<i32>} : memref<128x128xbf16, #tpu.memory_space<vmem>>, vector<32xbf16>,
        %get3A_214 = arith.index_cast %scan3A_162 : i32 to index
        %get3A_215 = arith.constant 96 : index
        %get3A_216 = tpu.vector_load %arg11[%get3A_214, %get3A_215] {strides = array<i32>} : memref<128x128xbf16, #tpu.memory_space<vmem>>, vector<32xbf16>,
        %add3A_217 = arith.addf %get3A_213, %get3A_216 : vector<32xbf16>
        %get3A_218 = arith.index_cast %scan3A_162 : i32 to index
        %get3A_219 = arith.constant 96 : index
        %get3A_220 = tpu.vector_load %arg12[%get3A_218, %get3A_219] {strides = array<i32>} : memref<128x128xbf16, #tpu.memory_space<vmem>>, vector<32xbf16>,
        %add3A_221 = arith.addf %add3A_217, %get3A_220 : vector<32xbf16>
        %max3A_222 = arith.constant 0.000000e+00 : bf16
        %max3A_223 = vector.broadcast %max3A_222 : bf16 to vector<32xbf16>
        %max3A_224 = arith.maximumf %add3A_221, %max3A_223 : vector<32xbf16>
        %swap3A_225 = arith.index_cast %scan3A_162 : i32 to index
        %swap3A_226 = arith.constant 96 : index
        %swap3A_227 = tpu.vector_load %arg10[%swap3A_225, %swap3A_226] {strides = array<i32>} : memref<128x128xbf16, #tpu.memory_space<vmem>>, vector<32xbf16>,
        tpu.vector_store %arg10[%swap3A_225, %swap3A_226], %max3A_224 {strides = array<i32>} : memref<128x128xbf16, #tpu.memory_space<vmem>>, vector<32xbf16>,
      }
      %scan3A_107 = arith.constant 128 : i32
      "tpu.region"() ({
        %run_scoped3A_162 = tpu.sem_alloc : memref<!tpu.dma_semaphore, #tpu.memory_space<semaphore_mem>>
        %dma_start3A_163 = arith.constant 0 : i32
        %dma_start3A_164 = tpu.memref_slice %arg9[%add3A_74, %dma_start3A_163] : memref<80x128xi32, #tpu.memory_space<vmem>> -> memref<1x128xi32, #tpu.memory_space<vmem>>
        %dma_start3A_165 = tpu.memref_squeeze %dma_start3A_164 : memref<1x128xi32, #tpu.memory_space<vmem>> -> memref<128xi32, #tpu.memory_space<vmem>>
        %dma_start3A_166 = arith.constant 0 : i32
        %dma_start3A_167 = arith.constant 0 : i32
        %dma_start3A_168 = tpu.memref_slice %arg17[%dma_start3A_166, %dma_start3A_167] : memref<10240x128xbf16, #tpu.memory_space<vmem_shared>> -> memref<10240x128xbf16, #tpu.memory_space<vmem_shared>>
        tpu.enqueue_indirect_dma source(%arg10 : memref<128x128xbf16, #tpu.memory_space<vmem>>) target(%dma_start3A_168 : memref<10240x128xbf16, #tpu.memory_space<vmem_shared>>) offsets(%dma_start3A_165 : memref<128xi32, #tpu.memory_space<vmem>>) semaphore(%run_scoped3A_162 : memref<!tpu.dma_semaphore, #tpu.memory_space<semaphore_mem>>) {add = true}
        %dma_wait3A_169 = arith.constant 0 : i32
        %dma_wait3A_170 = tpu.memref_slice %arg9[%add3A_74, %dma_wait3A_169] : memref<80x128xi32, #tpu.memory_space<vmem>> -> memref<1x128xi32, #tpu.memory_space<vmem>>
        %dma_wait3A_171 = tpu.memref_squeeze %dma_wait3A_170 : memref<1x128xi32, #tpu.memory_space<vmem>> -> memref<128xi32, #tpu.memory_space<vmem>>
        %dma_wait3A_172 = arith.constant 0 : i32
        %dma_wait3A_173 = arith.constant 0 : i32
        %dma_wait3A_174 = tpu.memref_slice %arg17[%dma_wait3A_172, %dma_wait3A_173] : memref<10240x128xbf16, #tpu.memory_space<vmem_shared>> -> memref<10240x128xbf16, #tpu.memory_space<vmem_shared>>
        tpu.wait_indirect_dma semaphore(%run_scoped3A_162 : memref<!tpu.dma_semaphore, #tpu.memory_space<semaphore_mem>>) src(%arg10 : memref<128x128xbf16, #tpu.memory_space<vmem>>) dst(%dma_wait3A_174 : memref<10240x128xbf16, #tpu.memory_space<vmem_shared>>)
        tpu.yield
      }) : () -> ()
      %scan3A_108 = arith.constant 0 : i32
      %scan3A_109 = arith.constant 0 : i32
      %scan3A_110 = arith.constant 8 : i32
      %scan3A_111 = arith.addi %scan3A_109, %scan3A_110 : i32
      %scan3A_112 = arith.constant 1 : i32
      scf.for %scan3A_162 = %scan3A_109 to %scan3A_111 step %scan3A_112  : i32 {
        %mul3A_163 = arith.constant 16 : i32
        %mul3A_164 = arith.muli %scan3A_162, %mul3A_163 : i32
        %get3A = arith.index_cast %add3A_74 : i32 to index
        %get3A_165 = arith.index_cast %mul3A_164 : i32 to index
        %get3A_166 = tpu.vector_load %arg9[%get3A, %get3A_165] {strides = array<i32>} : memref<80x128xi32, #tpu.memory_space<vmem>>, vector<16xi32>,
        tpu.vector_store_idx %arg16[%get3A_166], %broadcast_in_dim3A_7 {add = true} : memref<10240xf32, #tpu.memory_space<vmem>>[vector<16xi32>], vector<16xf32>,
      }
      %scan3A_113 = arith.constant 8 : i32
      %mul3A_114 = arith.constant 2 : i32
      %mul3A_115 = arith.muli %scan3A_70, %mul3A_114 : i32
      %add3A_116 = arith.constant 1 : i32
      %add3A_117 = arith.addi %mul3A_115, %add3A_116 : i32
      %add3A_118 = arith.constant 2 : i32
      %add3A_119 = arith.addi %add3A_117, %add3A_118 : i32
      %sub3A_120 = arith.constant 1 : i32
      %sub3A_121 = arith.subi %add3A_119, %sub3A_120 : i32
      %lt3A_122 = arith.constant 80 : i32
      %lt3A_123 = arith.cmpi slt, %sub3A_121, %lt3A_122 : i32
      %convert_element_type3A_124 = arith.extui %lt3A_123 : i1 to i32
      %cond3A_125 = arith.constant 0 : i32
      %cond3A_126 = arith.cmpi ne, %convert_element_type3A_124, %cond3A_125 : i32
      scf.if %cond3A_126 {
        %dma_start3A_162 = arith.constant 0 : i32
        %dma_start3A_163 = tpu.memref_slice %arg8[%sub3A_121, %dma_start3A_162] : memref<80x128xi32, #tpu.memory_space<vmem>> -> memref<1x128xi32, #tpu.memory_space<vmem>>
        %dma_start3A_164 = tpu.memref_squeeze %dma_start3A_163 : memref<1x128xi32, #tpu.memory_space<vmem>> -> memref<128xi32, #tpu.memory_space<vmem>>
        %dma_start3A_165 = arith.constant 0 : i32
        %dma_start3A_166 = arith.constant 0 : i32
        %dma_start3A_167 = tpu.memref_slice %arg2[%dma_start3A_165, %dma_start3A_166] : memref<10016x128xbf16, #tpu.memory_space<hbm>> -> memref<10016x128xbf16, #tpu.memory_space<hbm>>
        tpu.enqueue_indirect_dma source(%dma_start3A_167 : memref<10016x128xbf16, #tpu.memory_space<hbm>>) target(%arg10 : memref<128x128xbf16, #tpu.memory_space<vmem>>) offsets(%dma_start3A_164 : memref<128xi32, #tpu.memory_space<vmem>>) semaphore(%arg18 : memref<!tpu.dma_semaphore, #tpu.memory_space<semaphore_mem>>)
        %dma_start3A_168 = arith.constant 0 : i32
        %dma_start3A_169 = tpu.memref_slice %arg9[%sub3A_121, %dma_start3A_168] : memref<80x128xi32, #tpu.memory_space<vmem>> -> memref<1x128xi32, #tpu.memory_space<vmem>>
        %dma_start3A_170 = tpu.memref_squeeze %dma_start3A_169 : memref<1x128xi32, #tpu.memory_space<vmem>> -> memref<128xi32, #tpu.memory_space<vmem>>
        %dma_start3A_171 = arith.constant 0 : i32
        %dma_start3A_172 = arith.constant 0 : i32
        %dma_start3A_173 = tpu.memref_slice %arg3[%dma_start3A_171, %dma_start3A_172] : memref<10016x128xbf16, #tpu.memory_space<hbm>> -> memref<10016x128xbf16, #tpu.memory_space<hbm>>
        tpu.enqueue_indirect_dma source(%dma_start3A_173 : memref<10016x128xbf16, #tpu.memory_space<hbm>>) target(%arg11 : memref<128x128xbf16, #tpu.memory_space<vmem>>) offsets(%dma_start3A_170 : memref<128xi32, #tpu.memory_space<vmem>>) semaphore(%arg18 : memref<!tpu.dma_semaphore, #tpu.memory_space<semaphore_mem>>)
        %mul3A_174 = arith.constant 80 : i32
        %mul3A_175 = arith.muli %add3A, %mul3A_174 : i32
        %mul3A_176 = arith.constant 128 : i32
        %mul3A_177 = arith.muli %mul3A_175, %mul3A_176 : i32
        %mul3A_178 = arith.constant 128 : i32
        %mul3A_179 = arith.muli %sub3A_121, %mul3A_178 : i32
        %add3A_180 = arith.addi %mul3A_177, %mul3A_179 : i32
        %dma_start3A_181 = arith.constant 0 : i32
        %dma_start3A_182 = tpu.memref_slice %arg4[%add3A_180, %dma_start3A_181] : memref<327680x128xbf16, #tpu.memory_space<hbm>> -> memref<128x128xbf16, #tpu.memory_space<hbm>>
        %dma_start3A_183 = arith.constant 0 : i32
        %dma_start3A_184 = tpu.memref_slice %arg4[%add3A_180, %dma_start3A_183] : memref<327680x128xbf16, #tpu.memory_space<hbm>> -> memref<128x128xbf16, #tpu.memory_space<hbm>>
        tpu.enqueue_dma source(%dma_start3A_184 : memref<128x128xbf16, #tpu.memory_space<hbm>>) target(%arg12 : memref<128x128xbf16, #tpu.memory_space<vmem>>) target_semaphore(%arg18 : memref<!tpu.dma_semaphore, #tpu.memory_space<semaphore_mem>>)
      } else {
      }
      %dma_wait3A_127 = arith.constant 0 : i32
      %dma_wait3A_128 = tpu.memref_slice %arg8[%add3A_117, %dma_wait3A_127] : memref<80x128xi32, #tpu.memory_space<vmem>> -> memref<1x128xi32, #tpu.memory_space<vmem>>
      %dma_wait3A_129 = tpu.memref_squeeze %dma_wait3A_128 : memref<1x128xi32, #tpu.memory_space<vmem>> -> memref<128xi32, #tpu.memory_space<vmem>>
      %dma_wait3A_130 = arith.constant 0 : i32
      %dma_wait3A_131 = arith.constant 0 : i32
      %dma_wait3A_132 = tpu.memref_slice %arg2[%dma_wait3A_130, %dma_wait3A_131] : memref<10016x128xbf16, #tpu.memory_space<hbm>> -> memref<10016x128xbf16, #tpu.memory_space<hbm>>
      tpu.wait_indirect_dma semaphore(%arg19 : memref<!tpu.dma_semaphore, #tpu.memory_space<semaphore_mem>>) src(%dma_wait3A_132 : memref<10016x128xbf16, #tpu.memory_space<hbm>>) dst(%arg13 : memref<128x128xbf16, #tpu.memory_space<vmem>>)
      %dma_wait3A_133 = arith.constant 0 : i32
      %dma_wait3A_134 = tpu.memref_slice %arg9[%add3A_117, %dma_wait3A_133] : memref<80x128xi32, #tpu.memory_space<vmem>> -> memref<1x128xi32, #tpu.memory_space<vmem>>
      %dma_wait3A_135 = tpu.memref_squeeze %dma_wait3A_134 : memref<1x128xi32, #tpu.memory_space<vmem>> -> memref<128xi32, #tpu.memory_space<vmem>>
      %dma_wait3A_136 = arith.constant 0 : i32
      %dma_wait3A_137 = arith.constant 0 : i32
      %dma_wait3A_138 = tpu.memref_slice %arg3[%dma_wait3A_136, %dma_wait3A_137] : memref<10016x128xbf16, #tpu.memory_space<hbm>> -> memref<10016x128xbf16, #tpu.memory_space<hbm>>
      tpu.wait_indirect_dma semaphore(%arg19 : memref<!tpu.dma_semaphore, #tpu.memory_space<semaphore_mem>>) src(%dma_wait3A_138 : memref<10016x128xbf16, #tpu.memory_space<hbm>>) dst(%arg14 : memref<128x128xbf16, #tpu.memory_space<vmem>>)
      %mul3A_139 = arith.constant 80 : i32
      %mul3A_140 = arith.muli %add3A, %mul3A_139 : i32
      %mul3A_141 = arith.constant 128 : i32
      %mul3A_142 = arith.muli %mul3A_140, %mul3A_141 : i32
      %mul3A_143 = arith.constant 128 : i32
      %mul3A_144 = arith.muli %add3A_117, %mul3A_143 : i32
      %add3A_145 = arith.addi %mul3A_142, %mul3A_144 : i32
      %dma_wait3A_146 = arith.constant 0 : i32
      %dma_wait3A_147 = tpu.memref_slice %arg4[%add3A_145, %dma_wait3A_146] : memref<327680x128xbf16, #tpu.memory_space<hbm>> -> memref<128x128xbf16, #tpu.memory_space<hbm>>
      %dma_wait3A_148 = arith.constant 0 : i32
      %dma_wait3A_149 = tpu.memref_slice %arg4[%add3A_145, %dma_wait3A_148] : memref<327680x128xbf16, #tpu.memory_space<hbm>> -> memref<128x128xbf16, #tpu.memory_space<hbm>>
      tpu.wait_dma2 semaphore(%arg19 : memref<!tpu.dma_semaphore, #tpu.memory_space<semaphore_mem>>) src(%dma_wait3A_149 : memref<128x128xbf16, #tpu.memory_space<hbm>>) dst(%arg15 : memref<128x128xbf16, #tpu.memory_space<vmem>>)
      %scan3A_150 = arith.constant 0 : i32
      %scan3A_151 = arith.constant 0 : i32
      %scan3A_152 = arith.constant 128 : i32
      %scan3A_153 = arith.addi %scan3A_151, %scan3A_152 : i32
      %scan3A_154 = arith.constant 1 : i32
      scf.for %scan3A_162 = %scan3A_151 to %scan3A_153 step %scan3A_154  : i32 {
        %get3A = arith.index_cast %scan3A_162 : i32 to index
        %get3A_163 = arith.constant 0 : index
        %get3A_164 = tpu.vector_load %arg13[%get3A, %get3A_163] {strides = array<i32>} : memref<128x128xbf16, #tpu.memory_space<vmem>>, vector<32xbf16>,
        %get3A_165 = arith.index_cast %scan3A_162 : i32 to index
        %get3A_166 = arith.constant 0 : index
        %get3A_167 = tpu.vector_load %arg14[%get3A_165, %get3A_166] {strides = array<i32>} : memref<128x128xbf16, #tpu.memory_space<vmem>>, vector<32xbf16>,
        %add3A_168 = arith.addf %get3A_164, %get3A_167 : vector<32xbf16>
        %get3A_169 = arith.index_cast %scan3A_162 : i32 to index
        %get3A_170 = arith.constant 0 : index
        %get3A_171 = tpu.vector_load %arg15[%get3A_169, %get3A_170] {strides = array<i32>} : memref<128x128xbf16, #tpu.memory_space<vmem>>, vector<32xbf16>,
        %add3A_172 = arith.addf %add3A_168, %get3A_171 : vector<32xbf16>
        %max3A = arith.constant 0.000000e+00 : bf16
        %max3A_173 = vector.broadcast %max3A : bf16 to vector<32xbf16>
        %max3A_174 = arith.maximumf %add3A_172, %max3A_173 : vector<32xbf16>
        %swap3A = arith.index_cast %scan3A_162 : i32 to index
        %swap3A_175 = arith.constant 0 : index
        %swap3A_176 = tpu.vector_load %arg13[%swap3A, %swap3A_175] {strides = array<i32>} : memref<128x128xbf16, #tpu.memory_space<vmem>>, vector<32xbf16>,
        tpu.vector_store %arg13[%swap3A, %swap3A_175], %max3A_174 {strides = array<i32>} : memref<128x128xbf16, #tpu.memory_space<vmem>>, vector<32xbf16>,
        %get3A_177 = arith.index_cast %scan3A_162 : i32 to index
        %get3A_178 = arith.constant 32 : index
        %get3A_179 = tpu.vector_load %arg13[%get3A_177, %get3A_178] {strides = array<i32>} : memref<128x128xbf16, #tpu.memory_space<vmem>>, vector<32xbf16>,
        %get3A_180 = arith.index_cast %scan3A_162 : i32 to index
        %get3A_181 = arith.constant 32 : index
        %get3A_182 = tpu.vector_load %arg14[%get3A_180, %get3A_181] {strides = array<i32>} : memref<128x128xbf16, #tpu.memory_space<vmem>>, vector<32xbf16>,
        %add3A_183 = arith.addf %get3A_179, %get3A_182 : vector<32xbf16>
        %get3A_184 = arith.index_cast %scan3A_162 : i32 to index
        %get3A_185 = arith.constant 32 : index
        %get3A_186 = tpu.vector_load %arg15[%get3A_184, %get3A_185] {strides = array<i32>} : memref<128x128xbf16, #tpu.memory_space<vmem>>, vector<32xbf16>,
        %add3A_187 = arith.addf %add3A_183, %get3A_186 : vector<32xbf16>
        %max3A_188 = arith.constant 0.000000e+00 : bf16
        %max3A_189 = vector.broadcast %max3A_188 : bf16 to vector<32xbf16>
        %max3A_190 = arith.maximumf %add3A_187, %max3A_189 : vector<32xbf16>
        %swap3A_191 = arith.index_cast %scan3A_162 : i32 to index
        %swap3A_192 = arith.constant 32 : index
        %swap3A_193 = tpu.vector_load %arg13[%swap3A_191, %swap3A_192] {strides = array<i32>} : memref<128x128xbf16, #tpu.memory_space<vmem>>, vector<32xbf16>,
        tpu.vector_store %arg13[%swap3A_191, %swap3A_192], %max3A_190 {strides = array<i32>} : memref<128x128xbf16, #tpu.memory_space<vmem>>, vector<32xbf16>,
        %get3A_194 = arith.index_cast %scan3A_162 : i32 to index
        %get3A_195 = arith.constant 64 : index
        %get3A_196 = tpu.vector_load %arg13[%get3A_194, %get3A_195] {strides = array<i32>} : memref<128x128xbf16, #tpu.memory_space<vmem>>, vector<32xbf16>,
        %get3A_197 = arith.index_cast %scan3A_162 : i32 to index
        %get3A_198 = arith.constant 64 : index
        %get3A_199 = tpu.vector_load %arg14[%get3A_197, %get3A_198] {strides = array<i32>} : memref<128x128xbf16, #tpu.memory_space<vmem>>, vector<32xbf16>,
        %add3A_200 = arith.addf %get3A_196, %get3A_199 : vector<32xbf16>
        %get3A_201 = arith.index_cast %scan3A_162 : i32 to index
        %get3A_202 = arith.constant 64 : index
        %get3A_203 = tpu.vector_load %arg15[%get3A_201, %get3A_202] {strides = array<i32>} : memref<128x128xbf16, #tpu.memory_space<vmem>>, vector<32xbf16>,
        %add3A_204 = arith.addf %add3A_200, %get3A_203 : vector<32xbf16>
        %max3A_205 = arith.constant 0.000000e+00 : bf16
        %max3A_206 = vector.broadcast %max3A_205 : bf16 to vector<32xbf16>
        %max3A_207 = arith.maximumf %add3A_204, %max3A_206 : vector<32xbf16>
        %swap3A_208 = arith.index_cast %scan3A_162 : i32 to index
        %swap3A_209 = arith.constant 64 : index
        %swap3A_210 = tpu.vector_load %arg13[%swap3A_208, %swap3A_209] {strides = array<i32>} : memref<128x128xbf16, #tpu.memory_space<vmem>>, vector<32xbf16>,
        tpu.vector_store %arg13[%swap3A_208, %swap3A_209], %max3A_207 {strides = array<i32>} : memref<128x128xbf16, #tpu.memory_space<vmem>>, vector<32xbf16>,
        %get3A_211 = arith.index_cast %scan3A_162 : i32 to index
        %get3A_212 = arith.constant 96 : index
        %get3A_213 = tpu.vector_load %arg13[%get3A_211, %get3A_212] {strides = array<i32>} : memref<128x128xbf16, #tpu.memory_space<vmem>>, vector<32xbf16>,
        %get3A_214 = arith.index_cast %scan3A_162 : i32 to index
        %get3A_215 = arith.constant 96 : index
        %get3A_216 = tpu.vector_load %arg14[%get3A_214, %get3A_215] {strides = array<i32>} : memref<128x128xbf16, #tpu.memory_space<vmem>>, vector<32xbf16>,
        %add3A_217 = arith.addf %get3A_213, %get3A_216 : vector<32xbf16>
        %get3A_218 = arith.index_cast %scan3A_162 : i32 to index
        %get3A_219 = arith.constant 96 : index
        %get3A_220 = tpu.vector_load %arg15[%get3A_218, %get3A_219] {strides = array<i32>} : memref<128x128xbf16, #tpu.memory_space<vmem>>, vector<32xbf16>,
        %add3A_221 = arith.addf %add3A_217, %get3A_220 : vector<32xbf16>
        %max3A_222 = arith.constant 0.000000e+00 : bf16
        %max3A_223 = vector.broadcast %max3A_222 : bf16 to vector<32xbf16>
        %max3A_224 = arith.maximumf %add3A_221, %max3A_223 : vector<32xbf16>
        %swap3A_225 = arith.index_cast %scan3A_162 : i32 to index
        %swap3A_226 = arith.constant 96 : index
        %swap3A_227 = tpu.vector_load %arg13[%swap3A_225, %swap3A_226] {strides = array<i32>} : memref<128x128xbf16, #tpu.memory_space<vmem>>, vector<32xbf16>,
        tpu.vector_store %arg13[%swap3A_225, %swap3A_226], %max3A_224 {strides = array<i32>} : memref<128x128xbf16, #tpu.memory_space<vmem>>, vector<32xbf16>,
      }
      %scan3A_155 = arith.constant 128 : i32
      "tpu.region"() ({
        %run_scoped3A_162 = tpu.sem_alloc : memref<!tpu.dma_semaphore, #tpu.memory_space<semaphore_mem>>
        %dma_start3A_163 = arith.constant 0 : i32
        %dma_start3A_164 = tpu.memref_slice %arg9[%add3A_117, %dma_start3A_163] : memref<80x128xi32, #tpu.memory_space<vmem>> -> memref<1x128xi32, #tpu.memory_space<vmem>>
        %dma_start3A_165 = tpu.memref_squeeze %dma_start3A_164 : memref<1x128xi32, #tpu.memory_space<vmem>> -> memref<128xi32, #tpu.memory_space<vmem>>
        %dma_start3A_166 = arith.constant 0 : i32
        %dma_start3A_167 = arith.constant 0 : i32
        %dma_start3A_168 = tpu.memref_slice %arg17[%dma_start3A_166, %dma_start3A_167] : memref<10240x128xbf16, #tpu.memory_space<vmem_shared>> -> memref<10240x128xbf16, #tpu.memory_space<vmem_shared>>
        tpu.enqueue_indirect_dma source(%arg13 : memref<128x128xbf16, #tpu.memory_space<vmem>>) target(%dma_start3A_168 : memref<10240x128xbf16, #tpu.memory_space<vmem_shared>>) offsets(%dma_start3A_165 : memref<128xi32, #tpu.memory_space<vmem>>) semaphore(%run_scoped3A_162 : memref<!tpu.dma_semaphore, #tpu.memory_space<semaphore_mem>>) {add = true}
        %dma_wait3A_169 = arith.constant 0 : i32
        %dma_wait3A_170 = tpu.memref_slice %arg9[%add3A_117, %dma_wait3A_169] : memref<80x128xi32, #tpu.memory_space<vmem>> -> memref<1x128xi32, #tpu.memory_space<vmem>>
        %dma_wait3A_171 = tpu.memref_squeeze %dma_wait3A_170 : memref<1x128xi32, #tpu.memory_space<vmem>> -> memref<128xi32, #tpu.memory_space<vmem>>
        %dma_wait3A_172 = arith.constant 0 : i32
        %dma_wait3A_173 = arith.constant 0 : i32
        %dma_wait3A_174 = tpu.memref_slice %arg17[%dma_wait3A_172, %dma_wait3A_173] : memref<10240x128xbf16, #tpu.memory_space<vmem_shared>> -> memref<10240x128xbf16, #tpu.memory_space<vmem_shared>>
        tpu.wait_indirect_dma semaphore(%run_scoped3A_162 : memref<!tpu.dma_semaphore, #tpu.memory_space<semaphore_mem>>) src(%arg13 : memref<128x128xbf16, #tpu.memory_space<vmem>>) dst(%dma_wait3A_174 : memref<10240x128xbf16, #tpu.memory_space<vmem_shared>>)
        tpu.yield
      }) : () -> ()
      %scan3A_156 = arith.constant 0 : i32
      %scan3A_157 = arith.constant 0 : i32
      %scan3A_158 = arith.constant 8 : i32
      %scan3A_159 = arith.addi %scan3A_157, %scan3A_158 : i32
      %scan3A_160 = arith.constant 1 : i32
      scf.for %scan3A_162 = %scan3A_157 to %scan3A_159 step %scan3A_160  : i32 {
        %mul3A_163 = arith.constant 16 : i32
        %mul3A_164 = arith.muli %scan3A_162, %mul3A_163 : i32
        %get3A = arith.index_cast %add3A_117 : i32 to index
        %get3A_165 = arith.index_cast %mul3A_164 : i32 to index
        %get3A_166 = tpu.vector_load %arg9[%get3A, %get3A_165] {strides = array<i32>} : memref<80x128xi32, #tpu.memory_space<vmem>>, vector<16xi32>,
        tpu.vector_store_idx %arg16[%get3A_166], %broadcast_in_dim3A_7 {add = true} : memref<10240xf32, #tpu.memory_space<vmem>>[vector<16xi32>], vector<16xf32>,
      }
      %scan3A_161 = arith.constant 8 : i32
    }
    %scan3A_58 = arith.constant 40 : i32
    %barrier3A_59 = arith.constant 0 : index
    tpu.barrier barrier_id(%barrier3A_59)
    %add3A_60 = arith.constant 0 : i32
    %add3A_61 = arith.addi %mul3A_2, %add3A_60 : i32
    "tpu.region"() ({
      %run_scoped3A_70 = tpu.sem_alloc : memref<!tpu.dma_semaphore, #tpu.memory_space<semaphore_mem>>
      %dma_start3A_71 = arith.constant 0 : i32
      %dma_start3A_72 = arith.constant 0 : i32
      %dma_start3A_73 = tpu.memref_slice %arg10[%dma_start3A_71, %dma_start3A_72] : memref<128x128xbf16, #tpu.memory_space<vmem>> -> memref<128x128xbf16, #tpu.memory_space<vmem>>
      %dma_start3A_74 = arith.constant 0 : i32
      %dma_start3A_75 = tpu.memref_slice %arg17[%add3A_61, %dma_start3A_74] : memref<10240x128xbf16, #tpu.memory_space<vmem_shared>> -> memref<128x128xbf16, #tpu.memory_space<vmem_shared>>
      %dma_start3A_76 = arith.constant 0 : i32
      %dma_start3A_77 = arith.constant 0 : i32
      %dma_start3A_78 = tpu.memref_slice %arg10[%dma_start3A_76, %dma_start3A_77] : memref<128x128xbf16, #tpu.memory_space<vmem>> -> memref<128x128xbf16, #tpu.memory_space<vmem>>
      %dma_start3A_79 = arith.constant 0 : i32
      %dma_start3A_80 = tpu.memref_slice %arg17[%add3A_61, %dma_start3A_79] : memref<10240x128xbf16, #tpu.memory_space<vmem_shared>> -> memref<128x128xbf16, #tpu.memory_space<vmem_shared>>
      tpu.enqueue_dma source(%dma_start3A_80 : memref<128x128xbf16, #tpu.memory_space<vmem_shared>>) target(%dma_start3A_78 : memref<128x128xbf16, #tpu.memory_space<vmem>>) target_semaphore(%run_scoped3A_70 : memref<!tpu.dma_semaphore, #tpu.memory_space<semaphore_mem>>)
      %dma_wait3A = arith.constant 0 : i32
      %dma_wait3A_81 = arith.constant 0 : i32
      %dma_wait3A_82 = tpu.memref_slice %arg10[%dma_wait3A, %dma_wait3A_81] : memref<128x128xbf16, #tpu.memory_space<vmem>> -> memref<128x128xbf16, #tpu.memory_space<vmem>>
      %dma_wait3A_83 = arith.constant 0 : i32
      %dma_wait3A_84 = tpu.memref_slice %arg17[%add3A_61, %dma_wait3A_83] : memref<10240x128xbf16, #tpu.memory_space<vmem_shared>> -> memref<128x128xbf16, #tpu.memory_space<vmem_shared>>
      %dma_wait3A_85 = arith.constant 0 : i32
      %dma_wait3A_86 = arith.constant 0 : i32
      %dma_wait3A_87 = tpu.memref_slice %arg10[%dma_wait3A_85, %dma_wait3A_86] : memref<128x128xbf16, #tpu.memory_space<vmem>> -> memref<128x128xbf16, #tpu.memory_space<vmem>>
      %dma_wait3A_88 = arith.constant 0 : i32
      %dma_wait3A_89 = tpu.memref_slice %arg17[%add3A_61, %dma_wait3A_88] : memref<10240x128xbf16, #tpu.memory_space<vmem_shared>> -> memref<128x128xbf16, #tpu.memory_space<vmem_shared>>
      tpu.wait_dma2 semaphore(%run_scoped3A_70 : memref<!tpu.dma_semaphore, #tpu.memory_space<semaphore_mem>>) src(%dma_wait3A_89 : memref<128x128xbf16, #tpu.memory_space<vmem_shared>>) dst(%dma_wait3A_87 : memref<128x128xbf16, #tpu.memory_space<vmem>>)
      tpu.yield
    }) : () -> ()
    "tpu.region"() ({
      %run_scoped3A_70 = tpu.sem_alloc : memref<!tpu.dma_semaphore, #tpu.memory_space<semaphore_mem>>
      %dma_start3A_71 = arith.constant 0 : i32
      %dma_start3A_72 = arith.constant 0 : i32
      %dma_start3A_73 = tpu.memref_slice %arg10[%dma_start3A_71, %dma_start3A_72] : memref<128x128xbf16, #tpu.memory_space<vmem>> -> memref<128x128xbf16, #tpu.memory_space<vmem>>
      %dma_start3A_74 = arith.constant 0 : i32
      %dma_start3A_75 = tpu.memref_slice %arg6[%arg0, %add3A_61, %dma_start3A_74] : memref<2x10240x128xbf16, #tpu.memory_space<hbm>> -> memref<1x128x128xbf16, #tpu.memory_space<hbm>>
      %dma_start3A_76 = tpu.memref_squeeze %dma_start3A_75 : memref<1x128x128xbf16, #tpu.memory_space<hbm>> -> memref<128x128xbf16, #tpu.memory_space<hbm>>
      %dma_start3A_77 = arith.constant 0 : i32
      %dma_start3A_78 = tpu.memref_slice %arg6[%arg0, %add3A_61, %dma_start3A_77] : memref<2x10240x128xbf16, #tpu.memory_space<hbm>> -> memref<1x128x128xbf16, #tpu.memory_space<hbm>>
      %dma_start3A_79 = tpu.memref_squeeze %dma_start3A_78 : memref<1x128x128xbf16, #tpu.memory_space<hbm>> -> memref<128x128xbf16, #tpu.memory_space<hbm>>
      %dma_start3A_80 = arith.constant 0 : i32
      %dma_start3A_81 = arith.constant 0 : i32
      %dma_start3A_82 = tpu.memref_slice %arg10[%dma_start3A_80, %dma_start3A_81] : memref<128x128xbf16, #tpu.memory_space<vmem>> -> memref<128x128xbf16, #tpu.memory_space<vmem>>
      tpu.enqueue_dma source(%dma_start3A_82 : memref<128x128xbf16, #tpu.memory_space<vmem>>) target(%dma_start3A_79 : memref<128x128xbf16, #tpu.memory_space<hbm>>) target_semaphore(%run_scoped3A_70 : memref<!tpu.dma_semaphore, #tpu.memory_space<semaphore_mem>>)
      %dma_wait3A = arith.constant 0 : i32
      %dma_wait3A_83 = arith.constant 0 : i32
      %dma_wait3A_84 = tpu.memref_slice %arg10[%dma_wait3A, %dma_wait3A_83] : memref<128x128xbf16, #tpu.memory_space<vmem>> -> memref<128x128xbf16, #tpu.memory_space<vmem>>
      %dma_wait3A_85 = arith.constant 0 : i32
      %dma_wait3A_86 = tpu.memref_slice %arg6[%arg0, %add3A_61, %dma_wait3A_85] : memref<2x10240x128xbf16, #tpu.memory_space<hbm>> -> memref<1x128x128xbf16, #tpu.memory_space<hbm>>
      %dma_wait3A_87 = tpu.memref_squeeze %dma_wait3A_86 : memref<1x128x128xbf16, #tpu.memory_space<hbm>> -> memref<128x128xbf16, #tpu.memory_space<hbm>>
      %dma_wait3A_88 = arith.constant 0 : i32
      %dma_wait3A_89 = tpu.memref_slice %arg6[%arg0, %add3A_61, %dma_wait3A_88] : memref<2x10240x128xbf16, #tpu.memory_space<hbm>> -> memref<1x128x128xbf16, #tpu.memory_space<hbm>>
      %dma_wait3A_90 = tpu.memref_squeeze %dma_wait3A_89 : memref<1x128x128xbf16, #tpu.memory_space<hbm>> -> memref<128x128xbf16, #tpu.memory_space<hbm>>
      %dma_wait3A_91 = arith.constant 0 : i32
      %dma_wait3A_92 = arith.constant 0 : i32
      %dma_wait3A_93 = tpu.memref_slice %arg10[%dma_wait3A_91, %dma_wait3A_92] : memref<128x128xbf16, #tpu.memory_space<vmem>> -> memref<128x128xbf16, #tpu.memory_space<vmem>>
      tpu.wait_dma2 semaphore(%run_scoped3A_70 : memref<!tpu.dma_semaphore, #tpu.memory_space<semaphore_mem>>) src(%dma_wait3A_93 : memref<128x128xbf16, #tpu.memory_space<vmem>>) dst(%dma_wait3A_90 : memref<128x128xbf16, #tpu.memory_space<hbm>>)
      tpu.yield
    }) : () -> ()
    %add3A_62 = arith.constant 128 : i32
    %add3A_63 = arith.addi %mul3A_2, %add3A_62 : i32
    "tpu.region"() ({
      %run_scoped3A_70 = tpu.sem_alloc : memref<!tpu.dma_semaphore, #tpu.memory_space<semaphore_mem>>
      %dma_start3A_71 = arith.constant 0 : i32
      %dma_start3A_72 = arith.constant 0 : i32
      %dma_start3A_73 = tpu.memref_slice %arg10[%dma_start3A_71, %dma_start3A_72] : memref<128x128xbf16, #tpu.memory_space<vmem>> -> memref<128x128xbf16, #tpu.memory_space<vmem>>
      %dma_start3A_74 = arith.constant 0 : i32
      %dma_start3A_75 = tpu.memref_slice %arg17[%add3A_63, %dma_start3A_74] : memref<10240x128xbf16, #tpu.memory_space<vmem_shared>> -> memref<128x128xbf16, #tpu.memory_space<vmem_shared>>
      %dma_start3A_76 = arith.constant 0 : i32
      %dma_start3A_77 = arith.constant 0 : i32
      %dma_start3A_78 = tpu.memref_slice %arg10[%dma_start3A_76, %dma_start3A_77] : memref<128x128xbf16, #tpu.memory_space<vmem>> -> memref<128x128xbf16, #tpu.memory_space<vmem>>
      %dma_start3A_79 = arith.constant 0 : i32
      %dma_start3A_80 = tpu.memref_slice %arg17[%add3A_63, %dma_start3A_79] : memref<10240x128xbf16, #tpu.memory_space<vmem_shared>> -> memref<128x128xbf16, #tpu.memory_space<vmem_shared>>
      tpu.enqueue_dma source(%dma_start3A_80 : memref<128x128xbf16, #tpu.memory_space<vmem_shared>>) target(%dma_start3A_78 : memref<128x128xbf16, #tpu.memory_space<vmem>>) target_semaphore(%run_scoped3A_70 : memref<!tpu.dma_semaphore, #tpu.memory_space<semaphore_mem>>)
      %dma_wait3A = arith.constant 0 : i32
      %dma_wait3A_81 = arith.constant 0 : i32
      %dma_wait3A_82 = tpu.memref_slice %arg10[%dma_wait3A, %dma_wait3A_81] : memref<128x128xbf16, #tpu.memory_space<vmem>> -> memref<128x128xbf16, #tpu.memory_space<vmem>>
      %dma_wait3A_83 = arith.constant 0 : i32
      %dma_wait3A_84 = tpu.memref_slice %arg17[%add3A_63, %dma_wait3A_83] : memref<10240x128xbf16, #tpu.memory_space<vmem_shared>> -> memref<128x128xbf16, #tpu.memory_space<vmem_shared>>
      %dma_wait3A_85 = arith.constant 0 : i32
      %dma_wait3A_86 = arith.constant 0 : i32
      %dma_wait3A_87 = tpu.memref_slice %arg10[%dma_wait3A_85, %dma_wait3A_86] : memref<128x128xbf16, #tpu.memory_space<vmem>> -> memref<128x128xbf16, #tpu.memory_space<vmem>>
      %dma_wait3A_88 = arith.constant 0 : i32
      %dma_wait3A_89 = tpu.memref_slice %arg17[%add3A_63, %dma_wait3A_88] : memref<10240x128xbf16, #tpu.memory_space<vmem_shared>> -> memref<128x128xbf16, #tpu.memory_space<vmem_shared>>
      tpu.wait_dma2 semaphore(%run_scoped3A_70 : memref<!tpu.dma_semaphore, #tpu.memory_space<semaphore_mem>>) src(%dma_wait3A_89 : memref<128x128xbf16, #tpu.memory_space<vmem_shared>>) dst(%dma_wait3A_87 : memref<128x128xbf16, #tpu.memory_space<vmem>>)
      tpu.yield
    }) : () -> ()
    "tpu.region"() ({
      %run_scoped3A_70 = tpu.sem_alloc : memref<!tpu.dma_semaphore, #tpu.memory_space<semaphore_mem>>
      %dma_start3A_71 = arith.constant 0 : i32
      %dma_start3A_72 = arith.constant 0 : i32
      %dma_start3A_73 = tpu.memref_slice %arg10[%dma_start3A_71, %dma_start3A_72] : memref<128x128xbf16, #tpu.memory_space<vmem>> -> memref<128x128xbf16, #tpu.memory_space<vmem>>
      %dma_start3A_74 = arith.constant 0 : i32
      %dma_start3A_75 = tpu.memref_slice %arg6[%arg0, %add3A_63, %dma_start3A_74] : memref<2x10240x128xbf16, #tpu.memory_space<hbm>> -> memref<1x128x128xbf16, #tpu.memory_space<hbm>>
      %dma_start3A_76 = tpu.memref_squeeze %dma_start3A_75 : memref<1x128x128xbf16, #tpu.memory_space<hbm>> -> memref<128x128xbf16, #tpu.memory_space<hbm>>
      %dma_start3A_77 = arith.constant 0 : i32
      %dma_start3A_78 = tpu.memref_slice %arg6[%arg0, %add3A_63, %dma_start3A_77] : memref<2x10240x128xbf16, #tpu.memory_space<hbm>> -> memref<1x128x128xbf16, #tpu.memory_space<hbm>>
      %dma_start3A_79 = tpu.memref_squeeze %dma_start3A_78 : memref<1x128x128xbf16, #tpu.memory_space<hbm>> -> memref<128x128xbf16, #tpu.memory_space<hbm>>
      %dma_start3A_80 = arith.constant 0 : i32
      %dma_start3A_81 = arith.constant 0 : i32
      %dma_start3A_82 = tpu.memref_slice %arg10[%dma_start3A_80, %dma_start3A_81] : memref<128x128xbf16, #tpu.memory_space<vmem>> -> memref<128x128xbf16, #tpu.memory_space<vmem>>
      tpu.enqueue_dma source(%dma_start3A_82 : memref<128x128xbf16, #tpu.memory_space<vmem>>) target(%dma_start3A_79 : memref<128x128xbf16, #tpu.memory_space<hbm>>) target_semaphore(%run_scoped3A_70 : memref<!tpu.dma_semaphore, #tpu.memory_space<semaphore_mem>>)
      %dma_wait3A = arith.constant 0 : i32
      %dma_wait3A_83 = arith.constant 0 : i32
      %dma_wait3A_84 = tpu.memref_slice %arg10[%dma_wait3A, %dma_wait3A_83] : memref<128x128xbf16, #tpu.memory_space<vmem>> -> memref<128x128xbf16, #tpu.memory_space<vmem>>
      %dma_wait3A_85 = arith.constant 0 : i32
      %dma_wait3A_86 = tpu.memref_slice %arg6[%arg0, %add3A_63, %dma_wait3A_85] : memref<2x10240x128xbf16, #tpu.memory_space<hbm>> -> memref<1x128x128xbf16, #tpu.memory_space<hbm>>
      %dma_wait3A_87 = tpu.memref_squeeze %dma_wait3A_86 : memref<1x128x128xbf16, #tpu.memory_space<hbm>> -> memref<128x128xbf16, #tpu.memory_space<hbm>>
      %dma_wait3A_88 = arith.constant 0 : i32
      %dma_wait3A_89 = tpu.memref_slice %arg6[%arg0, %add3A_63, %dma_wait3A_88] : memref<2x10240x128xbf16, #tpu.memory_space<hbm>> -> memref<1x128x128xbf16, #tpu.memory_space<hbm>>
      %dma_wait3A_90 = tpu.memref_squeeze %dma_wait3A_89 : memref<1x128x128xbf16, #tpu.memory_space<hbm>> -> memref<128x128xbf16, #tpu.memory_space<hbm>>
      %dma_wait3A_91 = arith.constant 0 : i32
      %dma_wait3A_92 = arith.constant 0 : i32
      %dma_wait3A_93 = tpu.memref_slice %arg10[%dma_wait3A_91, %dma_wait3A_92] : memref<128x128xbf16, #tpu.memory_space<vmem>> -> memref<128x128xbf16, #tpu.memory_space<vmem>>
      tpu.wait_dma2 semaphore(%run_scoped3A_70 : memref<!tpu.dma_semaphore, #tpu.memory_space<semaphore_mem>>) src(%dma_wait3A_93 : memref<128x128xbf16, #tpu.memory_space<vmem>>) dst(%dma_wait3A_90 : memref<128x128xbf16, #tpu.memory_space<hbm>>)
      tpu.yield
    }) : () -> ()
    %add3A_64 = arith.constant 256 : i32
    %add3A_65 = arith.addi %mul3A_2, %add3A_64 : i32
    "tpu.region"() ({
      %run_scoped3A_70 = tpu.sem_alloc : memref<!tpu.dma_semaphore, #tpu.memory_space<semaphore_mem>>
      %dma_start3A_71 = arith.constant 0 : i32
      %dma_start3A_72 = arith.constant 0 : i32
      %dma_start3A_73 = tpu.memref_slice %arg10[%dma_start3A_71, %dma_start3A_72] : memref<128x128xbf16, #tpu.memory_space<vmem>> -> memref<128x128xbf16, #tpu.memory_space<vmem>>
      %dma_start3A_74 = arith.constant 0 : i32
      %dma_start3A_75 = tpu.memref_slice %arg17[%add3A_65, %dma_start3A_74] : memref<10240x128xbf16, #tpu.memory_space<vmem_shared>> -> memref<128x128xbf16, #tpu.memory_space<vmem_shared>>
      %dma_start3A_76 = arith.constant 0 : i32
      %dma_start3A_77 = arith.constant 0 : i32
      %dma_start3A_78 = tpu.memref_slice %arg10[%dma_start3A_76, %dma_start3A_77] : memref<128x128xbf16, #tpu.memory_space<vmem>> -> memref<128x128xbf16, #tpu.memory_space<vmem>>
      %dma_start3A_79 = arith.constant 0 : i32
      %dma_start3A_80 = tpu.memref_slice %arg17[%add3A_65, %dma_start3A_79] : memref<10240x128xbf16, #tpu.memory_space<vmem_shared>> -> memref<128x128xbf16, #tpu.memory_space<vmem_shared>>
      tpu.enqueue_dma source(%dma_start3A_80 : memref<128x128xbf16, #tpu.memory_space<vmem_shared>>) target(%dma_start3A_78 : memref<128x128xbf16, #tpu.memory_space<vmem>>) target_semaphore(%run_scoped3A_70 : memref<!tpu.dma_semaphore, #tpu.memory_space<semaphore_mem>>)
      %dma_wait3A = arith.constant 0 : i32
      %dma_wait3A_81 = arith.constant 0 : i32
      %dma_wait3A_82 = tpu.memref_slice %arg10[%dma_wait3A, %dma_wait3A_81] : memref<128x128xbf16, #tpu.memory_space<vmem>> -> memref<128x128xbf16, #tpu.memory_space<vmem>>
      %dma_wait3A_83 = arith.constant 0 : i32
      %dma_wait3A_84 = tpu.memref_slice %arg17[%add3A_65, %dma_wait3A_83] : memref<10240x128xbf16, #tpu.memory_space<vmem_shared>> -> memref<128x128xbf16, #tpu.memory_space<vmem_shared>>
      %dma_wait3A_85 = arith.constant 0 : i32
      %dma_wait3A_86 = arith.constant 0 : i32
      %dma_wait3A_87 = tpu.memref_slice %arg10[%dma_wait3A_85, %dma_wait3A_86] : memref<128x128xbf16, #tpu.memory_space<vmem>> -> memref<128x128xbf16, #tpu.memory_space<vmem>>
      %dma_wait3A_88 = arith.constant 0 : i32
      %dma_wait3A_89 = tpu.memref_slice %arg17[%add3A_65, %dma_wait3A_88] : memref<10240x128xbf16, #tpu.memory_space<vmem_shared>> -> memref<128x128xbf16, #tpu.memory_space<vmem_shared>>
      tpu.wait_dma2 semaphore(%run_scoped3A_70 : memref<!tpu.dma_semaphore, #tpu.memory_space<semaphore_mem>>) src(%dma_wait3A_89 : memref<128x128xbf16, #tpu.memory_space<vmem_shared>>) dst(%dma_wait3A_87 : memref<128x128xbf16, #tpu.memory_space<vmem>>)
      tpu.yield
    }) : () -> ()
    "tpu.region"() ({
      %run_scoped3A_70 = tpu.sem_alloc : memref<!tpu.dma_semaphore, #tpu.memory_space<semaphore_mem>>
      %dma_start3A_71 = arith.constant 0 : i32
      %dma_start3A_72 = arith.constant 0 : i32
      %dma_start3A_73 = tpu.memref_slice %arg10[%dma_start3A_71, %dma_start3A_72] : memref<128x128xbf16, #tpu.memory_space<vmem>> -> memref<128x128xbf16, #tpu.memory_space<vmem>>
      %dma_start3A_74 = arith.constant 0 : i32
      %dma_start3A_75 = tpu.memref_slice %arg6[%arg0, %add3A_65, %dma_start3A_74] : memref<2x10240x128xbf16, #tpu.memory_space<hbm>> -> memref<1x128x128xbf16, #tpu.memory_space<hbm>>
      %dma_start3A_76 = tpu.memref_squeeze %dma_start3A_75 : memref<1x128x128xbf16, #tpu.memory_space<hbm>> -> memref<128x128xbf16, #tpu.memory_space<hbm>>
      %dma_start3A_77 = arith.constant 0 : i32
      %dma_start3A_78 = tpu.memref_slice %arg6[%arg0, %add3A_65, %dma_start3A_77] : memref<2x10240x128xbf16, #tpu.memory_space<hbm>> -> memref<1x128x128xbf16, #tpu.memory_space<hbm>>
      %dma_start3A_79 = tpu.memref_squeeze %dma_start3A_78 : memref<1x128x128xbf16, #tpu.memory_space<hbm>> -> memref<128x128xbf16, #tpu.memory_space<hbm>>
      %dma_start3A_80 = arith.constant 0 : i32
      %dma_start3A_81 = arith.constant 0 : i32
      %dma_start3A_82 = tpu.memref_slice %arg10[%dma_start3A_80, %dma_start3A_81] : memref<128x128xbf16, #tpu.memory_space<vmem>> -> memref<128x128xbf16, #tpu.memory_space<vmem>>
      tpu.enqueue_dma source(%dma_start3A_82 : memref<128x128xbf16, #tpu.memory_space<vmem>>) target(%dma_start3A_79 : memref<128x128xbf16, #tpu.memory_space<hbm>>) target_semaphore(%run_scoped3A_70 : memref<!tpu.dma_semaphore, #tpu.memory_space<semaphore_mem>>)
      %dma_wait3A = arith.constant 0 : i32
      %dma_wait3A_83 = arith.constant 0 : i32
      %dma_wait3A_84 = tpu.memref_slice %arg10[%dma_wait3A, %dma_wait3A_83] : memref<128x128xbf16, #tpu.memory_space<vmem>> -> memref<128x128xbf16, #tpu.memory_space<vmem>>
      %dma_wait3A_85 = arith.constant 0 : i32
      %dma_wait3A_86 = tpu.memref_slice %arg6[%arg0, %add3A_65, %dma_wait3A_85] : memref<2x10240x128xbf16, #tpu.memory_space<hbm>> -> memref<1x128x128xbf16, #tpu.memory_space<hbm>>
      %dma_wait3A_87 = tpu.memref_squeeze %dma_wait3A_86 : memref<1x128x128xbf16, #tpu.memory_space<hbm>> -> memref<128x128xbf16, #tpu.memory_space<hbm>>
      %dma_wait3A_88 = arith.constant 0 : i32
      %dma_wait3A_89 = tpu.memref_slice %arg6[%arg0, %add3A_65, %dma_wait3A_88] : memref<2x10240x128xbf16, #tpu.memory_space<hbm>> -> memref<1x128x128xbf16, #tpu.memory_space<hbm>>
      %dma_wait3A_90 = tpu.memref_squeeze %dma_wait3A_89 : memref<1x128x128xbf16, #tpu.memory_space<hbm>> -> memref<128x128xbf16, #tpu.memory_space<hbm>>
      %dma_wait3A_91 = arith.constant 0 : i32
      %dma_wait3A_92 = arith.constant 0 : i32
      %dma_wait3A_93 = tpu.memref_slice %arg10[%dma_wait3A_91, %dma_wait3A_92] : memref<128x128xbf16, #tpu.memory_space<vmem>> -> memref<128x128xbf16, #tpu.memory_space<vmem>>
      tpu.wait_dma2 semaphore(%run_scoped3A_70 : memref<!tpu.dma_semaphore, #tpu.memory_space<semaphore_mem>>) src(%dma_wait3A_93 : memref<128x128xbf16, #tpu.memory_space<vmem>>) dst(%dma_wait3A_90 : memref<128x128xbf16, #tpu.memory_space<hbm>>)
      tpu.yield
    }) : () -> ()
    %add3A_66 = arith.constant 384 : i32
    %add3A_67 = arith.addi %mul3A_2, %add3A_66 : i32
    "tpu.region"() ({
      %run_scoped3A_70 = tpu.sem_alloc : memref<!tpu.dma_semaphore, #tpu.memory_space<semaphore_mem>>
      %dma_start3A_71 = arith.constant 0 : i32
      %dma_start3A_72 = arith.constant 0 : i32
      %dma_start3A_73 = tpu.memref_slice %arg10[%dma_start3A_71, %dma_start3A_72] : memref<128x128xbf16, #tpu.memory_space<vmem>> -> memref<128x128xbf16, #tpu.memory_space<vmem>>
      %dma_start3A_74 = arith.constant 0 : i32
      %dma_start3A_75 = tpu.memref_slice %arg17[%add3A_67, %dma_start3A_74] : memref<10240x128xbf16, #tpu.memory_space<vmem_shared>> -> memref<128x128xbf16, #tpu.memory_space<vmem_shared>>
      %dma_start3A_76 = arith.constant 0 : i32
      %dma_start3A_77 = arith.constant 0 : i32
      %dma_start3A_78 = tpu.memref_slice %arg10[%dma_start3A_76, %dma_start3A_77] : memref<128x128xbf16, #tpu.memory_space<vmem>> -> memref<128x128xbf16, #tpu.memory_space<vmem>>
      %dma_start3A_79 = arith.constant 0 : i32
      %dma_start3A_80 = tpu.memref_slice %arg17[%add3A_67, %dma_start3A_79] : memref<10240x128xbf16, #tpu.memory_space<vmem_shared>> -> memref<128x128xbf16, #tpu.memory_space<vmem_shared>>
      tpu.enqueue_dma source(%dma_start3A_80 : memref<128x128xbf16, #tpu.memory_space<vmem_shared>>) target(%dma_start3A_78 : memref<128x128xbf16, #tpu.memory_space<vmem>>) target_semaphore(%run_scoped3A_70 : memref<!tpu.dma_semaphore, #tpu.memory_space<semaphore_mem>>)
      %dma_wait3A = arith.constant 0 : i32
      %dma_wait3A_81 = arith.constant 0 : i32
      %dma_wait3A_82 = tpu.memref_slice %arg10[%dma_wait3A, %dma_wait3A_81] : memref<128x128xbf16, #tpu.memory_space<vmem>> -> memref<128x128xbf16, #tpu.memory_space<vmem>>
      %dma_wait3A_83 = arith.constant 0 : i32
      %dma_wait3A_84 = tpu.memref_slice %arg17[%add3A_67, %dma_wait3A_83] : memref<10240x128xbf16, #tpu.memory_space<vmem_shared>> -> memref<128x128xbf16, #tpu.memory_space<vmem_shared>>
      %dma_wait3A_85 = arith.constant 0 : i32
      %dma_wait3A_86 = arith.constant 0 : i32
      %dma_wait3A_87 = tpu.memref_slice %arg10[%dma_wait3A_85, %dma_wait3A_86] : memref<128x128xbf16, #tpu.memory_space<vmem>> -> memref<128x128xbf16, #tpu.memory_space<vmem>>
      %dma_wait3A_88 = arith.constant 0 : i32
      %dma_wait3A_89 = tpu.memref_slice %arg17[%add3A_67, %dma_wait3A_88] : memref<10240x128xbf16, #tpu.memory_space<vmem_shared>> -> memref<128x128xbf16, #tpu.memory_space<vmem_shared>>
      tpu.wait_dma2 semaphore(%run_scoped3A_70 : memref<!tpu.dma_semaphore, #tpu.memory_space<semaphore_mem>>) src(%dma_wait3A_89 : memref<128x128xbf16, #tpu.memory_space<vmem_shared>>) dst(%dma_wait3A_87 : memref<128x128xbf16, #tpu.memory_space<vmem>>)
      tpu.yield
    }) : () -> ()
    "tpu.region"() ({
      %run_scoped3A_70 = tpu.sem_alloc : memref<!tpu.dma_semaphore, #tpu.memory_space<semaphore_mem>>
      %dma_start3A_71 = arith.constant 0 : i32
      %dma_start3A_72 = arith.constant 0 : i32
      %dma_start3A_73 = tpu.memref_slice %arg10[%dma_start3A_71, %dma_start3A_72] : memref<128x128xbf16, #tpu.memory_space<vmem>> -> memref<128x128xbf16, #tpu.memory_space<vmem>>
      %dma_start3A_74 = arith.constant 0 : i32
      %dma_start3A_75 = tpu.memref_slice %arg6[%arg0, %add3A_67, %dma_start3A_74] : memref<2x10240x128xbf16, #tpu.memory_space<hbm>> -> memref<1x128x128xbf16, #tpu.memory_space<hbm>>
      %dma_start3A_76 = tpu.memref_squeeze %dma_start3A_75 : memref<1x128x128xbf16, #tpu.memory_space<hbm>> -> memref<128x128xbf16, #tpu.memory_space<hbm>>
      %dma_start3A_77 = arith.constant 0 : i32
      %dma_start3A_78 = tpu.memref_slice %arg6[%arg0, %add3A_67, %dma_start3A_77] : memref<2x10240x128xbf16, #tpu.memory_space<hbm>> -> memref<1x128x128xbf16, #tpu.memory_space<hbm>>
      %dma_start3A_79 = tpu.memref_squeeze %dma_start3A_78 : memref<1x128x128xbf16, #tpu.memory_space<hbm>> -> memref<128x128xbf16, #tpu.memory_space<hbm>>
      %dma_start3A_80 = arith.constant 0 : i32
      %dma_start3A_81 = arith.constant 0 : i32
      %dma_start3A_82 = tpu.memref_slice %arg10[%dma_start3A_80, %dma_start3A_81] : memref<128x128xbf16, #tpu.memory_space<vmem>> -> memref<128x128xbf16, #tpu.memory_space<vmem>>
      tpu.enqueue_dma source(%dma_start3A_82 : memref<128x128xbf16, #tpu.memory_space<vmem>>) target(%dma_start3A_79 : memref<128x128xbf16, #tpu.memory_space<hbm>>) target_semaphore(%run_scoped3A_70 : memref<!tpu.dma_semaphore, #tpu.memory_space<semaphore_mem>>)
      %dma_wait3A = arith.constant 0 : i32
      %dma_wait3A_83 = arith.constant 0 : i32
      %dma_wait3A_84 = tpu.memref_slice %arg10[%dma_wait3A, %dma_wait3A_83] : memref<128x128xbf16, #tpu.memory_space<vmem>> -> memref<128x128xbf16, #tpu.memory_space<vmem>>
      %dma_wait3A_85 = arith.constant 0 : i32
      %dma_wait3A_86 = tpu.memref_slice %arg6[%arg0, %add3A_67, %dma_wait3A_85] : memref<2x10240x128xbf16, #tpu.memory_space<hbm>> -> memref<1x128x128xbf16, #tpu.memory_space<hbm>>
      %dma_wait3A_87 = tpu.memref_squeeze %dma_wait3A_86 : memref<1x128x128xbf16, #tpu.memory_space<hbm>> -> memref<128x128xbf16, #tpu.memory_space<hbm>>
      %dma_wait3A_88 = arith.constant 0 : i32
      %dma_wait3A_89 = tpu.memref_slice %arg6[%arg0, %add3A_67, %dma_wait3A_88] : memref<2x10240x128xbf16, #tpu.memory_space<hbm>> -> memref<1x128x128xbf16, #tpu.memory_space<hbm>>
      %dma_wait3A_90 = tpu.memref_squeeze %dma_wait3A_89 : memref<1x128x128xbf16, #tpu.memory_space<hbm>> -> memref<128x128xbf16, #tpu.memory_space<hbm>>
      %dma_wait3A_91 = arith.constant 0 : i32
      %dma_wait3A_92 = arith.constant 0 : i32
      %dma_wait3A_93 = tpu.memref_slice %arg10[%dma_wait3A_91, %dma_wait3A_92] : memref<128x128xbf16, #tpu.memory_space<vmem>> -> memref<128x128xbf16, #tpu.memory_space<vmem>>
      tpu.wait_dma2 semaphore(%run_scoped3A_70 : memref<!tpu.dma_semaphore, #tpu.memory_space<semaphore_mem>>) src(%dma_wait3A_93 : memref<128x128xbf16, #tpu.memory_space<vmem>>) dst(%dma_wait3A_90 : memref<128x128xbf16, #tpu.memory_space<hbm>>)
      tpu.yield
    }) : () -> ()
    %add3A_68 = arith.constant 512 : i32
    %add3A_69 = arith.addi %mul3A_2, %add3A_68 : i32
    "tpu.region"() ({
      %run_scoped3A_70 = tpu.sem_alloc : memref<!tpu.dma_semaphore, #tpu.memory_space<semaphore_mem>>
      %dma_start3A_71 = arith.constant 0 : i32
      %dma_start3A_72 = arith.constant 0 : i32
      %dma_start3A_73 = tpu.memref_slice %arg10[%dma_start3A_71, %dma_start3A_72] : memref<128x128xbf16, #tpu.memory_space<vmem>> -> memref<128x128xbf16, #tpu.memory_space<vmem>>
      %dma_start3A_74 = arith.constant 0 : i32
      %dma_start3A_75 = tpu.memref_slice %arg17[%add3A_69, %dma_start3A_74] : memref<10240x128xbf16, #tpu.memory_space<vmem_shared>> -> memref<128x128xbf16, #tpu.memory_space<vmem_shared>>
      %dma_start3A_76 = arith.constant 0 : i32
      %dma_start3A_77 = arith.constant 0 : i32
      %dma_start3A_78 = tpu.memref_slice %arg10[%dma_start3A_76, %dma_start3A_77] : memref<128x128xbf16, #tpu.memory_space<vmem>> -> memref<128x128xbf16, #tpu.memory_space<vmem>>
      %dma_start3A_79 = arith.constant 0 : i32
      %dma_start3A_80 = tpu.memref_slice %arg17[%add3A_69, %dma_start3A_79] : memref<10240x128xbf16, #tpu.memory_space<vmem_shared>> -> memref<128x128xbf16, #tpu.memory_space<vmem_shared>>
      tpu.enqueue_dma source(%dma_start3A_80 : memref<128x128xbf16, #tpu.memory_space<vmem_shared>>) target(%dma_start3A_78 : memref<128x128xbf16, #tpu.memory_space<vmem>>) target_semaphore(%run_scoped3A_70 : memref<!tpu.dma_semaphore, #tpu.memory_space<semaphore_mem>>)
      %dma_wait3A = arith.constant 0 : i32
      %dma_wait3A_81 = arith.constant 0 : i32
      %dma_wait3A_82 = tpu.memref_slice %arg10[%dma_wait3A, %dma_wait3A_81] : memref<128x128xbf16, #tpu.memory_space<vmem>> -> memref<128x128xbf16, #tpu.memory_space<vmem>>
      %dma_wait3A_83 = arith.constant 0 : i32
      %dma_wait3A_84 = tpu.memref_slice %arg17[%add3A_69, %dma_wait3A_83] : memref<10240x128xbf16, #tpu.memory_space<vmem_shared>> -> memref<128x128xbf16, #tpu.memory_space<vmem_shared>>
      %dma_wait3A_85 = arith.constant 0 : i32
      %dma_wait3A_86 = arith.constant 0 : i32
      %dma_wait3A_87 = tpu.memref_slice %arg10[%dma_wait3A_85, %dma_wait3A_86] : memref<128x128xbf16, #tpu.memory_space<vmem>> -> memref<128x128xbf16, #tpu.memory_space<vmem>>
      %dma_wait3A_88 = arith.constant 0 : i32
      %dma_wait3A_89 = tpu.memref_slice %arg17[%add3A_69, %dma_wait3A_88] : memref<10240x128xbf16, #tpu.memory_space<vmem_shared>> -> memref<128x128xbf16, #tpu.memory_space<vmem_shared>>
      tpu.wait_dma2 semaphore(%run_scoped3A_70 : memref<!tpu.dma_semaphore, #tpu.memory_space<semaphore_mem>>) src(%dma_wait3A_89 : memref<128x128xbf16, #tpu.memory_space<vmem_shared>>) dst(%dma_wait3A_87 : memref<128x128xbf16, #tpu.memory_space<vmem>>)
      tpu.yield
    }) : () -> ()
    "tpu.region"() ({
      %run_scoped3A_70 = tpu.sem_alloc : memref<!tpu.dma_semaphore, #tpu.memory_space<semaphore_mem>>
      %dma_start3A_71 = arith.constant 0 : i32
      %dma_start3A_72 = arith.constant 0 : i32
      %dma_start3A_73 = tpu.memref_slice %arg10[%dma_start3A_71, %dma_start3A_72] : memref<128x128xbf16, #tpu.memory_space<vmem>> -> memref<128x128xbf16, #tpu.memory_space<vmem>>
      %dma_start3A_74 = arith.constant 0 : i32
      %dma_start3A_75 = tpu.memref_slice %arg6[%arg0, %add3A_69, %dma_start3A_74] : memref<2x10240x128xbf16, #tpu.memory_space<hbm>> -> memref<1x128x128xbf16, #tpu.memory_space<hbm>>
      %dma_start3A_76 = tpu.memref_squeeze %dma_start3A_75 : memref<1x128x128xbf16, #tpu.memory_space<hbm>> -> memref<128x128xbf16, #tpu.memory_space<hbm>>
      %dma_start3A_77 = arith.constant 0 : i32
      %dma_start3A_78 = tpu.memref_slice %arg6[%arg0, %add3A_69, %dma_start3A_77] : memref<2x10240x128xbf16, #tpu.memory_space<hbm>> -> memref<1x128x128xbf16, #tpu.memory_space<hbm>>
      %dma_start3A_79 = tpu.memref_squeeze %dma_start3A_78 : memref<1x128x128xbf16, #tpu.memory_space<hbm>> -> memref<128x128xbf16, #tpu.memory_space<hbm>>
      %dma_start3A_80 = arith.constant 0 : i32
      %dma_start3A_81 = arith.constant 0 : i32
      %dma_start3A_82 = tpu.memref_slice %arg10[%dma_start3A_80, %dma_start3A_81] : memref<128x128xbf16, #tpu.memory_space<vmem>> -> memref<128x128xbf16, #tpu.memory_space<vmem>>
      tpu.enqueue_dma source(%dma_start3A_82 : memref<128x128xbf16, #tpu.memory_space<vmem>>) target(%dma_start3A_79 : memref<128x128xbf16, #tpu.memory_space<hbm>>) target_semaphore(%run_scoped3A_70 : memref<!tpu.dma_semaphore, #tpu.memory_space<semaphore_mem>>)
      %dma_wait3A = arith.constant 0 : i32
      %dma_wait3A_83 = arith.constant 0 : i32
      %dma_wait3A_84 = tpu.memref_slice %arg10[%dma_wait3A, %dma_wait3A_83] : memref<128x128xbf16, #tpu.memory_space<vmem>> -> memref<128x128xbf16, #tpu.memory_space<vmem>>
      %dma_wait3A_85 = arith.constant 0 : i32
      %dma_wait3A_86 = tpu.memref_slice %arg6[%arg0, %add3A_69, %dma_wait3A_85] : memref<2x10240x128xbf16, #tpu.memory_space<hbm>> -> memref<1x128x128xbf16, #tpu.memory_space<hbm>>
      %dma_wait3A_87 = tpu.memref_squeeze %dma_wait3A_86 : memref<1x128x128xbf16, #tpu.memory_space<hbm>> -> memref<128x128xbf16, #tpu.memory_space<hbm>>
      %dma_wait3A_88 = arith.constant 0 : i32
      %dma_wait3A_89 = tpu.memref_slice %arg6[%arg0, %add3A_69, %dma_wait3A_88] : memref<2x10240x128xbf16, #tpu.memory_space<hbm>> -> memref<1x128x128xbf16, #tpu.memory_space<hbm>>
      %dma_wait3A_90 = tpu.memref_squeeze %dma_wait3A_89 : memref<1x128x128xbf16, #tpu.memory_space<hbm>> -> memref<128x128xbf16, #tpu.memory_space<hbm>>
      %dma_wait3A_91 = arith.constant 0 : i32
      %dma_wait3A_92 = arith.constant 0 : i32
      %dma_wait3A_93 = tpu.memref_slice %arg10[%dma_wait3A_91, %dma_wait3A_92] : memref<128x128xbf16, #tpu.memory_space<vmem>> -> memref<128x128xbf16, #tpu.memory_space<vmem>>
      tpu.wait_dma2 semaphore(%run_scoped3A_70 : memref<!tpu.dma_semaphore, #tpu.memory_space<semaphore_mem>>) src(%dma_wait3A_93 : memref<128x128xbf16, #tpu.memory_space<vmem>>) dst(%dma_wait3A_90 : memref<128x128xbf16, #tpu.memory_space<hbm>>)
      tpu.yield
    }) : () -> ()
    "tpu.region"() ({
      %run_scoped3A_70 = tpu.sem_alloc : memref<!tpu.dma_semaphore, #tpu.memory_space<semaphore_mem>>
      %dma_start3A_71 = arith.constant 0 : i32
      %dma_start3A_72 = tpu.memref_slice %arg7[%add3A, %dma_start3A_71] : memref<32x10240xf32, #tpu.memory_space<hbm>> -> memref<1x10240xf32, #tpu.memory_space<hbm>>
      %dma_start3A_73 = tpu.memref_squeeze %dma_start3A_72 : memref<1x10240xf32, #tpu.memory_space<hbm>> -> memref<10240xf32, #tpu.memory_space<hbm>>
      %dma_start3A_74 = arith.constant 0 : i32
      %dma_start3A_75 = tpu.memref_slice %arg7[%add3A, %dma_start3A_74] : memref<32x10240xf32, #tpu.memory_space<hbm>> -> memref<1x10240xf32, #tpu.memory_space<hbm>>
      %dma_start3A_76 = tpu.memref_squeeze %dma_start3A_75 : memref<1x10240xf32, #tpu.memory_space<hbm>> -> memref<10240xf32, #tpu.memory_space<hbm>>
      tpu.enqueue_dma source(%arg16 : memref<10240xf32, #tpu.memory_space<vmem>>) target(%dma_start3A_76 : memref<10240xf32, #tpu.memory_space<hbm>>) target_semaphore(%run_scoped3A_70 : memref<!tpu.dma_semaphore, #tpu.memory_space<semaphore_mem>>)
      %dma_wait3A = arith.constant 0 : i32
      %dma_wait3A_77 = tpu.memref_slice %arg7[%add3A, %dma_wait3A] : memref<32x10240xf32, #tpu.memory_space<hbm>> -> memref<1x10240xf32, #tpu.memory_space<hbm>>
      %dma_wait3A_78 = tpu.memref_squeeze %dma_wait3A_77 : memref<1x10240xf32, #tpu.memory_space<hbm>> -> memref<10240xf32, #tpu.memory_space<hbm>>
      %dma_wait3A_79 = arith.constant 0 : i32
      %dma_wait3A_80 = tpu.memref_slice %arg7[%add3A, %dma_wait3A_79] : memref<32x10240xf32, #tpu.memory_space<hbm>> -> memref<1x10240xf32, #tpu.memory_space<hbm>>
      %dma_wait3A_81 = tpu.memref_squeeze %dma_wait3A_80 : memref<1x10240xf32, #tpu.memory_space<hbm>> -> memref<10240xf32, #tpu.memory_space<hbm>>
      tpu.wait_dma2 semaphore(%run_scoped3A_70 : memref<!tpu.dma_semaphore, #tpu.memory_space<semaphore_mem>>) src(%arg16 : memref<10240xf32, #tpu.memory_space<vmem>>) dst(%dma_wait3A_81 : memref<10240xf32, #tpu.memory_space<hbm>>)
      tpu.yield
    }) : () -> ()
    return
  }
}

module attributes {stable_mosaic.version = 14 : i64} {
  func.func @_c_body(%arg0: i32, %arg1: memref<4000x16xf32, #tpu.memory_space<vmem>>, %arg2: memref<16x128xf32, #tpu.memory_space<vmem>>, %arg3: memref<1x128xf32, #tpu.memory_space<vmem>>, %arg4: memref<4000x128xbf16, #tpu.memory_space<vmem>>) attributes {dimension_semantics = [#tpu.dimension_semantics<arbitrary>], iteration_bounds = array<i64: 80>, scalar_prefetch = 0 : i64, scratch_operands = 0 : i64, tpu.core_type = #tpu.core_type<tc>, window_params = [{transform_indices = @transform_0, window_bounds = array<i64: 4000, 16>}, {pipeline_mode = #tpu.pipeline_mode<synchronous>, transform_indices = @transform_1, window_bounds = array<i64: 16, 128>}, {pipeline_mode = #tpu.pipeline_mode<synchronous>, transform_indices = @transform_2, window_bounds = array<i64: 1, 128>}, {transform_indices = @transform_3, window_bounds = array<i64: 4000, 128>}]} {
    %get3A = arith.constant 0 : index
    %get3A_0 = arith.constant 0 : index
    %get3A_1 = vector.load %arg1[%get3A, %get3A_0] : memref<4000x16xf32, #tpu.memory_space<vmem>>, vector<4000x16xf32>
    %get3A_2 = arith.constant 0 : index
    %get3A_3 = arith.constant 0 : index
    %get3A_4 = vector.load %arg2[%get3A_2, %get3A_3] : memref<16x128xf32, #tpu.memory_space<vmem>>, vector<16x128xf32>
    %dot_general3A = arith.constant dense<0.000000e+00> : vector<4000x128xf32>
    %dot_general3A_5 = tpu.matmul %get3A_1, %get3A_4, %dot_general3A {dimension_numbers = #tpu.dot_dimension_numbers<[1], [0], [0], [1], [0, 0, 1, 1], [], []>, transpose_lhs_hint = false} : vector<4000x16xf32>, vector<16x128xf32>, vector<4000x128xf32> -> vector<4000x128xf32>
    %get3A_6 = arith.constant 0 : index
    %get3A_7 = arith.constant 0 : index
    %get3A_8 = vector.load %arg3[%get3A_6, %get3A_7] : memref<1x128xf32, #tpu.memory_space<vmem>>, vector<1x128xf32>
    %add3A = vector.broadcast %get3A_8 : vector<1x128xf32> to vector<4000x128xf32>
    %add3A_9 = arith.addf %dot_general3A_5, %add3A : vector<4000x128xf32>
    %convert_element_type3A = arith.truncf %add3A_9 : vector<4000x128xf32> to vector<4000x128xbf16>
    %swap3A = arith.constant 0 : index
    %swap3A_10 = arith.constant 0 : index
    %swap3A_11 = vector.load %arg4[%swap3A, %swap3A_10] : memref<4000x128xbf16, #tpu.memory_space<vmem>>, vector<4000x128xbf16>
    tpu.vector_store %arg4[%swap3A, %swap3A_10], %convert_element_type3A {strides = array<i32>} : memref<4000x128xbf16, #tpu.memory_space<vmem>>, vector<4000x128xbf16>,
    return
  }
  func.func @transform_0(%arg0: i32) -> (i32, i32) {
    %c0_i32 = arith.constant 0 : i32
    %c0_i32_0 = arith.constant 0 : i32
    return %arg0, %c0_i32 : i32, i32
  }
  func.func @transform_1(%arg0: i32) -> (i32, i32) {
    %c0_i32 = arith.constant 0 : i32
    %c0_i32_0 = arith.constant 0 : i32
    %c0_i32_1 = arith.constant 0 : i32
    return %c0_i32, %c0_i32_0 : i32, i32
  }
  func.func @transform_2(%arg0: i32) -> (i32, i32) {
    %c0_i32 = arith.constant 0 : i32
    %c0_i32_0 = arith.constant 0 : i32
    %c0_i32_1 = arith.constant 0 : i32
    return %c0_i32, %c0_i32_0 : i32, i32
  }
  func.func @transform_3(%arg0: i32) -> (i32, i32) {
    %c0_i32 = arith.constant 0 : i32
    %c0_i32_0 = arith.constant 0 : i32
    return %arg0, %c0_i32 : i32, i32
  }
}

module attributes {stable_mosaic.version = 14 : i64} {
  func.func @_ab_body(%arg0: i32, %arg1: memref<2000x128xf32, #tpu.memory_space<vmem>>, %arg2: memref<128x128xf32, #tpu.memory_space<vmem>>, %arg3: memref<128x128xf32, #tpu.memory_space<vmem>>, %arg4: memref<2000x128xbf16, #tpu.memory_space<vmem>>, %arg5: memref<2000x128xbf16, #tpu.memory_space<vmem>>) attributes {dimension_semantics = [#tpu.dimension_semantics<arbitrary>], iteration_bounds = array<i64: 5>, scalar_prefetch = 0 : i64, scratch_operands = 0 : i64, tpu.core_type = #tpu.core_type<tc>, window_params = [{transform_indices = @transform_0, window_bounds = array<i64: 2000, 128>}, {pipeline_mode = #tpu.pipeline_mode<synchronous>, transform_indices = @transform_1, window_bounds = array<i64: 128, 128>}, {pipeline_mode = #tpu.pipeline_mode<synchronous>, transform_indices = @transform_2, window_bounds = array<i64: 128, 128>}, {transform_indices = @transform_3, window_bounds = array<i64: 2000, 128>}, {transform_indices = @transform_4, window_bounds = array<i64: 2000, 128>}]} {
    %get3A = arith.constant 0 : index
    %get3A_0 = arith.constant 0 : index
    %get3A_1 = vector.load %arg1[%get3A, %get3A_0] : memref<2000x128xf32, #tpu.memory_space<vmem>>, vector<2000x128xf32>
    %get3A_2 = arith.constant 0 : index
    %get3A_3 = arith.constant 0 : index
    %get3A_4 = vector.load %arg2[%get3A_2, %get3A_3] : memref<128x128xf32, #tpu.memory_space<vmem>>, vector<128x128xf32>
    %dot_general3A = arith.constant dense<0.000000e+00> : vector<2000x128xf32>
    %dot_general3A_5 = tpu.matmul %get3A_1, %get3A_4, %dot_general3A {dimension_numbers = #tpu.dot_dimension_numbers<[1], [0], [0], [1], [0, 0, 1, 1], [], []>, transpose_lhs_hint = false} : vector<2000x128xf32>, vector<128x128xf32>, vector<2000x128xf32> -> vector<2000x128xf32>
    %get3A_6 = arith.constant 0 : index
    %get3A_7 = arith.constant 0 : index
    %get3A_8 = vector.load %arg3[%get3A_6, %get3A_7] : memref<128x128xf32, #tpu.memory_space<vmem>>, vector<128x128xf32>
    %dot_general3A_9 = arith.constant dense<0.000000e+00> : vector<2000x128xf32>
    %dot_general3A_10 = tpu.matmul %get3A_1, %get3A_8, %dot_general3A_9 {dimension_numbers = #tpu.dot_dimension_numbers<[1], [0], [0], [1], [0, 0, 1, 1], [], []>, transpose_lhs_hint = false} : vector<2000x128xf32>, vector<128x128xf32>, vector<2000x128xf32> -> vector<2000x128xf32>
    %convert_element_type3A = arith.truncf %dot_general3A_5 : vector<2000x128xf32> to vector<2000x128xbf16>
    %swap3A = arith.constant 0 : index
    %swap3A_11 = arith.constant 0 : index
    %swap3A_12 = vector.load %arg4[%swap3A, %swap3A_11] : memref<2000x128xbf16, #tpu.memory_space<vmem>>, vector<2000x128xbf16>
    tpu.vector_store %arg4[%swap3A, %swap3A_11], %convert_element_type3A {strides = array<i32>} : memref<2000x128xbf16, #tpu.memory_space<vmem>>, vector<2000x128xbf16>,
    %convert_element_type3A_13 = arith.truncf %dot_general3A_10 : vector<2000x128xf32> to vector<2000x128xbf16>
    %swap3A_14 = arith.constant 0 : index
    %swap3A_15 = arith.constant 0 : index
    %swap3A_16 = vector.load %arg5[%swap3A_14, %swap3A_15] : memref<2000x128xbf16, #tpu.memory_space<vmem>>, vector<2000x128xbf16>
    tpu.vector_store %arg5[%swap3A_14, %swap3A_15], %convert_element_type3A_13 {strides = array<i32>} : memref<2000x128xbf16, #tpu.memory_space<vmem>>, vector<2000x128xbf16>,
    return
  }
  func.func @transform_0(%arg0: i32) -> (i32, i32) {
    %c0_i32 = arith.constant 0 : i32
    %c0_i32_0 = arith.constant 0 : i32
    return %arg0, %c0_i32 : i32, i32
  }
  func.func @transform_1(%arg0: i32) -> (i32, i32) {
    %c0_i32 = arith.constant 0 : i32
    %c0_i32_0 = arith.constant 0 : i32
    %c0_i32_1 = arith.constant 0 : i32
    return %c0_i32, %c0_i32_0 : i32, i32
  }
  func.func @transform_2(%arg0: i32) -> (i32, i32) {
    %c0_i32 = arith.constant 0 : i32
    %c0_i32_0 = arith.constant 0 : i32
    %c0_i32_1 = arith.constant 0 : i32
    return %c0_i32, %c0_i32_0 : i32, i32
  }
  func.func @transform_3(%arg0: i32) -> (i32, i32) {
    %c0_i32 = arith.constant 0 : i32
    %c0_i32_0 = arith.constant 0 : i32
    return %arg0, %c0_i32 : i32, i32
  }
  func.func @transform_4(%arg0: i32) -> (i32, i32) {
    %c0_i32 = arith.constant 0 : i32
    %c0_i32_0 = arith.constant 0 : i32
    return %arg0, %c0_i32 : i32, i32
  }
}

module attributes {stable_mosaic.version = 14 : i64} {
  func.func @_attn_body(%arg0: i32, %arg1: memref<1x1000x128xf32, #tpu.memory_space<vmem>>, %arg2: memref<1x5000x128xf32, #tpu.memory_space<vmem>>, %arg3: memref<1x1000x128xf32, #tpu.memory_space<vmem>>) attributes {dimension_semantics = [#tpu.dimension_semantics<arbitrary>], iteration_bounds = array<i64: 10>, scalar_prefetch = 0 : i64, scratch_operands = 0 : i64, tpu.core_type = #tpu.core_type<tc>, window_params = [{transform_indices = @transform_0, window_bounds = array<i64: 1, 1000, 128>}, {transform_indices = @transform_1, window_bounds = array<i64: 1, 5000, 128>}, {transform_indices = @transform_2, window_bounds = array<i64: 1, 1000, 128>}]} {
    %get3A = arith.constant 0 : index
    %get3A_0 = arith.constant 0 : index
    %get3A_1 = arith.constant 0 : index
    %get3A_2 = vector.load %arg1[%get3A, %get3A_0, %get3A_1] : memref<1x1000x128xf32, #tpu.memory_space<vmem>>, vector<1x1000x128xf32>
    %get3A_3 = vector.shape_cast %get3A_2 : vector<1x1000x128xf32> to vector<1000x128xf32>
    %get3A_4 = arith.constant 0 : index
    %get3A_5 = arith.constant 0 : index
    %get3A_6 = arith.constant 0 : index
    %get3A_7 = vector.load %arg2[%get3A_4, %get3A_5, %get3A_6] : memref<1x5000x128xf32, #tpu.memory_space<vmem>>, vector<1x5000x128xf32>
    %get3A_8 = vector.shape_cast %get3A_7 : vector<1x5000x128xf32> to vector<5000x128xf32>
    %broadcast_in_dim3A = arith.constant -1.000000e+30 : f32
    %broadcast_in_dim3A_9 = vector.broadcast %broadcast_in_dim3A : f32 to vector<1000x1xf32>
    %broadcast_in_dim3A_10 = arith.constant 0.000000e+00 : f32
    %broadcast_in_dim3A_11 = vector.broadcast %broadcast_in_dim3A_10 : f32 to vector<1000x1xf32>
    %broadcast_in_dim3A_12 = arith.constant 0.000000e+00 : f32
    %broadcast_in_dim3A_13 = vector.broadcast %broadcast_in_dim3A_12 : f32 to vector<1000x128xf32>
    %slice3A = vector.extract_strided_slice %get3A_8 {offsets = [0, 0], sizes = [1000, 128], strides = [1, 1]} : vector<5000x128xf32> to vector<1000x128xf32>
    %dot_general3A = arith.constant dense<0.000000e+00> : vector<1000x1000xf32>
    %dot_general3A_14 = tpu.matmul %get3A_3, %slice3A, %dot_general3A {dimension_numbers = #tpu.dot_dimension_numbers<[1], [1], [0], [0], [0, 0, 1, 0], [], []>, transpose_lhs_hint = false} : vector<1000x128xf32>, vector<1000x128xf32>, vector<1000x1000xf32> -> vector<1000x1000xf32>
    %reduce_max3A = arith.constant dense<0xFF800000> : vector<1000xf32>
    %reduce_max3A_15 = vector.multi_reduction <maximumf>, %dot_general3A_14, %reduce_max3A [1] : vector<1000x1000xf32> to vector<1000xf32>
    %broadcast_in_dim3A_16 = vector.shape_cast %reduce_max3A_15 : vector<1000xf32> to vector<1000x1xf32>
    %max3A = arith.maximumf %broadcast_in_dim3A_9, %broadcast_in_dim3A_16 : vector<1000x1xf32>
    %sub3A = arith.subf %broadcast_in_dim3A_9, %max3A : vector<1000x1xf32>
    %exp3A = math.exp %sub3A : vector<1000x1xf32>
    %sub3A_17 = vector.broadcast %max3A : vector<1000x1xf32> to vector<1000x1000xf32>
    %sub3A_18 = arith.subf %dot_general3A_14, %sub3A_17 : vector<1000x1000xf32>
    %exp3A_19 = math.exp %sub3A_18 : vector<1000x1000xf32>
    %mul3A = arith.mulf %broadcast_in_dim3A_11, %exp3A : vector<1000x1xf32>
    %reduce_sum3A = arith.constant dense<0.000000e+00> : vector<1000xf32>
    %reduce_sum3A_20 = vector.multi_reduction <add>, %exp3A_19, %reduce_sum3A [1] : vector<1000x1000xf32> to vector<1000xf32>
    %broadcast_in_dim3A_21 = vector.shape_cast %reduce_sum3A_20 : vector<1000xf32> to vector<1000x1xf32>
    %add3A = arith.addf %mul3A, %broadcast_in_dim3A_21 : vector<1000x1xf32>
    %mul3A_22 = vector.broadcast %exp3A : vector<1000x1xf32> to vector<1000x128xf32>
    %mul3A_23 = arith.mulf %broadcast_in_dim3A_13, %mul3A_22 : vector<1000x128xf32>
    %dot_general3A_24 = arith.constant dense<0.000000e+00> : vector<1000x128xf32>
    %dot_general3A_25 = tpu.matmul %exp3A_19, %slice3A, %dot_general3A_24 {dimension_numbers = #tpu.dot_dimension_numbers<[1], [0], [0], [1], [0, 0, 1, 1], [], []>, transpose_lhs_hint = false} : vector<1000x1000xf32>, vector<1000x128xf32>, vector<1000x128xf32> -> vector<1000x128xf32>
    %add3A_26 = arith.addf %mul3A_23, %dot_general3A_25 : vector<1000x128xf32>
    %slice3A_27 = vector.extract_strided_slice %get3A_8 {offsets = [1000, 0], sizes = [1000, 128], strides = [1, 1]} : vector<5000x128xf32> to vector<1000x128xf32>
    %dot_general3A_28 = arith.constant dense<0.000000e+00> : vector<1000x1000xf32>
    %dot_general3A_29 = tpu.matmul %get3A_3, %slice3A_27, %dot_general3A_28 {dimension_numbers = #tpu.dot_dimension_numbers<[1], [1], [0], [0], [0, 0, 1, 0], [], []>, transpose_lhs_hint = false} : vector<1000x128xf32>, vector<1000x128xf32>, vector<1000x1000xf32> -> vector<1000x1000xf32>
    %reduce_max3A_30 = arith.constant dense<0xFF800000> : vector<1000xf32>
    %reduce_max3A_31 = vector.multi_reduction <maximumf>, %dot_general3A_29, %reduce_max3A_30 [1] : vector<1000x1000xf32> to vector<1000xf32>
    %broadcast_in_dim3A_32 = vector.shape_cast %reduce_max3A_31 : vector<1000xf32> to vector<1000x1xf32>
    %max3A_33 = arith.maximumf %max3A, %broadcast_in_dim3A_32 : vector<1000x1xf32>
    %sub3A_34 = arith.subf %max3A, %max3A_33 : vector<1000x1xf32>
    %exp3A_35 = math.exp %sub3A_34 : vector<1000x1xf32>
    %sub3A_36 = vector.broadcast %max3A_33 : vector<1000x1xf32> to vector<1000x1000xf32>
    %sub3A_37 = arith.subf %dot_general3A_29, %sub3A_36 : vector<1000x1000xf32>
    %exp3A_38 = math.exp %sub3A_37 : vector<1000x1000xf32>
    %mul3A_39 = arith.mulf %add3A, %exp3A_35 : vector<1000x1xf32>
    %reduce_sum3A_40 = arith.constant dense<0.000000e+00> : vector<1000xf32>
    %reduce_sum3A_41 = vector.multi_reduction <add>, %exp3A_38, %reduce_sum3A_40 [1] : vector<1000x1000xf32> to vector<1000xf32>
    %broadcast_in_dim3A_42 = vector.shape_cast %reduce_sum3A_41 : vector<1000xf32> to vector<1000x1xf32>
    %add3A_43 = arith.addf %mul3A_39, %broadcast_in_dim3A_42 : vector<1000x1xf32>
    %mul3A_44 = vector.broadcast %exp3A_35 : vector<1000x1xf32> to vector<1000x128xf32>
    %mul3A_45 = arith.mulf %add3A_26, %mul3A_44 : vector<1000x128xf32>
    %dot_general3A_46 = arith.constant dense<0.000000e+00> : vector<1000x128xf32>
    %dot_general3A_47 = tpu.matmul %exp3A_38, %slice3A_27, %dot_general3A_46 {dimension_numbers = #tpu.dot_dimension_numbers<[1], [0], [0], [1], [0, 0, 1, 1], [], []>, transpose_lhs_hint = false} : vector<1000x1000xf32>, vector<1000x128xf32>, vector<1000x128xf32> -> vector<1000x128xf32>
    %add3A_48 = arith.addf %mul3A_45, %dot_general3A_47 : vector<1000x128xf32>
    %slice3A_49 = vector.extract_strided_slice %get3A_8 {offsets = [2000, 0], sizes = [1000, 128], strides = [1, 1]} : vector<5000x128xf32> to vector<1000x128xf32>
    %dot_general3A_50 = arith.constant dense<0.000000e+00> : vector<1000x1000xf32>
    %dot_general3A_51 = tpu.matmul %get3A_3, %slice3A_49, %dot_general3A_50 {dimension_numbers = #tpu.dot_dimension_numbers<[1], [1], [0], [0], [0, 0, 1, 0], [], []>, transpose_lhs_hint = false} : vector<1000x128xf32>, vector<1000x128xf32>, vector<1000x1000xf32> -> vector<1000x1000xf32>
    %reduce_max3A_52 = arith.constant dense<0xFF800000> : vector<1000xf32>
    %reduce_max3A_53 = vector.multi_reduction <maximumf>, %dot_general3A_51, %reduce_max3A_52 [1] : vector<1000x1000xf32> to vector<1000xf32>
    %broadcast_in_dim3A_54 = vector.shape_cast %reduce_max3A_53 : vector<1000xf32> to vector<1000x1xf32>
    %max3A_55 = arith.maximumf %max3A_33, %broadcast_in_dim3A_54 : vector<1000x1xf32>
    %sub3A_56 = arith.subf %max3A_33, %max3A_55 : vector<1000x1xf32>
    %exp3A_57 = math.exp %sub3A_56 : vector<1000x1xf32>
    %sub3A_58 = vector.broadcast %max3A_55 : vector<1000x1xf32> to vector<1000x1000xf32>
    %sub3A_59 = arith.subf %dot_general3A_51, %sub3A_58 : vector<1000x1000xf32>
    %exp3A_60 = math.exp %sub3A_59 : vector<1000x1000xf32>
    %mul3A_61 = arith.mulf %add3A_43, %exp3A_57 : vector<1000x1xf32>
    %reduce_sum3A_62 = arith.constant dense<0.000000e+00> : vector<1000xf32>
    %reduce_sum3A_63 = vector.multi_reduction <add>, %exp3A_60, %reduce_sum3A_62 [1] : vector<1000x1000xf32> to vector<1000xf32>
    %broadcast_in_dim3A_64 = vector.shape_cast %reduce_sum3A_63 : vector<1000xf32> to vector<1000x1xf32>
    %add3A_65 = arith.addf %mul3A_61, %broadcast_in_dim3A_64 : vector<1000x1xf32>
    %mul3A_66 = vector.broadcast %exp3A_57 : vector<1000x1xf32> to vector<1000x128xf32>
    %mul3A_67 = arith.mulf %add3A_48, %mul3A_66 : vector<1000x128xf32>
    %dot_general3A_68 = arith.constant dense<0.000000e+00> : vector<1000x128xf32>
    %dot_general3A_69 = tpu.matmul %exp3A_60, %slice3A_49, %dot_general3A_68 {dimension_numbers = #tpu.dot_dimension_numbers<[1], [0], [0], [1], [0, 0, 1, 1], [], []>, transpose_lhs_hint = false} : vector<1000x1000xf32>, vector<1000x128xf32>, vector<1000x128xf32> -> vector<1000x128xf32>
    %add3A_70 = arith.addf %mul3A_67, %dot_general3A_69 : vector<1000x128xf32>
    %slice3A_71 = vector.extract_strided_slice %get3A_8 {offsets = [3000, 0], sizes = [1000, 128], strides = [1, 1]} : vector<5000x128xf32> to vector<1000x128xf32>
    %dot_general3A_72 = arith.constant dense<0.000000e+00> : vector<1000x1000xf32>
    %dot_general3A_73 = tpu.matmul %get3A_3, %slice3A_71, %dot_general3A_72 {dimension_numbers = #tpu.dot_dimension_numbers<[1], [1], [0], [0], [0, 0, 1, 0], [], []>, transpose_lhs_hint = false} : vector<1000x128xf32>, vector<1000x128xf32>, vector<1000x1000xf32> -> vector<1000x1000xf32>
    %reduce_max3A_74 = arith.constant dense<0xFF800000> : vector<1000xf32>
    %reduce_max3A_75 = vector.multi_reduction <maximumf>, %dot_general3A_73, %reduce_max3A_74 [1] : vector<1000x1000xf32> to vector<1000xf32>
    %broadcast_in_dim3A_76 = vector.shape_cast %reduce_max3A_75 : vector<1000xf32> to vector<1000x1xf32>
    %max3A_77 = arith.maximumf %max3A_55, %broadcast_in_dim3A_76 : vector<1000x1xf32>
    %sub3A_78 = arith.subf %max3A_55, %max3A_77 : vector<1000x1xf32>
    %exp3A_79 = math.exp %sub3A_78 : vector<1000x1xf32>
    %sub3A_80 = vector.broadcast %max3A_77 : vector<1000x1xf32> to vector<1000x1000xf32>
    %sub3A_81 = arith.subf %dot_general3A_73, %sub3A_80 : vector<1000x1000xf32>
    %exp3A_82 = math.exp %sub3A_81 : vector<1000x1000xf32>
    %mul3A_83 = arith.mulf %add3A_65, %exp3A_79 : vector<1000x1xf32>
    %reduce_sum3A_84 = arith.constant dense<0.000000e+00> : vector<1000xf32>
    %reduce_sum3A_85 = vector.multi_reduction <add>, %exp3A_82, %reduce_sum3A_84 [1] : vector<1000x1000xf32> to vector<1000xf32>
    %broadcast_in_dim3A_86 = vector.shape_cast %reduce_sum3A_85 : vector<1000xf32> to vector<1000x1xf32>
    %add3A_87 = arith.addf %mul3A_83, %broadcast_in_dim3A_86 : vector<1000x1xf32>
    %mul3A_88 = vector.broadcast %exp3A_79 : vector<1000x1xf32> to vector<1000x128xf32>
    %mul3A_89 = arith.mulf %add3A_70, %mul3A_88 : vector<1000x128xf32>
    %dot_general3A_90 = arith.constant dense<0.000000e+00> : vector<1000x128xf32>
    %dot_general3A_91 = tpu.matmul %exp3A_82, %slice3A_71, %dot_general3A_90 {dimension_numbers = #tpu.dot_dimension_numbers<[1], [0], [0], [1], [0, 0, 1, 1], [], []>, transpose_lhs_hint = false} : vector<1000x1000xf32>, vector<1000x128xf32>, vector<1000x128xf32> -> vector<1000x128xf32>
    %add3A_92 = arith.addf %mul3A_89, %dot_general3A_91 : vector<1000x128xf32>
    %slice3A_93 = vector.extract_strided_slice %get3A_8 {offsets = [4000, 0], sizes = [1000, 128], strides = [1, 1]} : vector<5000x128xf32> to vector<1000x128xf32>
    %dot_general3A_94 = arith.constant dense<0.000000e+00> : vector<1000x1000xf32>
    %dot_general3A_95 = tpu.matmul %get3A_3, %slice3A_93, %dot_general3A_94 {dimension_numbers = #tpu.dot_dimension_numbers<[1], [1], [0], [0], [0, 0, 1, 0], [], []>, transpose_lhs_hint = false} : vector<1000x128xf32>, vector<1000x128xf32>, vector<1000x1000xf32> -> vector<1000x1000xf32>
    %reduce_max3A_96 = arith.constant dense<0xFF800000> : vector<1000xf32>
    %reduce_max3A_97 = vector.multi_reduction <maximumf>, %dot_general3A_95, %reduce_max3A_96 [1] : vector<1000x1000xf32> to vector<1000xf32>
    %broadcast_in_dim3A_98 = vector.shape_cast %reduce_max3A_97 : vector<1000xf32> to vector<1000x1xf32>
    %max3A_99 = arith.maximumf %max3A_77, %broadcast_in_dim3A_98 : vector<1000x1xf32>
    %sub3A_100 = arith.subf %max3A_77, %max3A_99 : vector<1000x1xf32>
    %exp3A_101 = math.exp %sub3A_100 : vector<1000x1xf32>
    %sub3A_102 = vector.broadcast %max3A_99 : vector<1000x1xf32> to vector<1000x1000xf32>
    %sub3A_103 = arith.subf %dot_general3A_95, %sub3A_102 : vector<1000x1000xf32>
    %exp3A_104 = math.exp %sub3A_103 : vector<1000x1000xf32>
    %mul3A_105 = arith.mulf %add3A_87, %exp3A_101 : vector<1000x1xf32>
    %reduce_sum3A_106 = arith.constant dense<0.000000e+00> : vector<1000xf32>
    %reduce_sum3A_107 = vector.multi_reduction <add>, %exp3A_104, %reduce_sum3A_106 [1] : vector<1000x1000xf32> to vector<1000xf32>
    %broadcast_in_dim3A_108 = vector.shape_cast %reduce_sum3A_107 : vector<1000xf32> to vector<1000x1xf32>
    %add3A_109 = arith.addf %mul3A_105, %broadcast_in_dim3A_108 : vector<1000x1xf32>
    %mul3A_110 = vector.broadcast %exp3A_101 : vector<1000x1xf32> to vector<1000x128xf32>
    %mul3A_111 = arith.mulf %add3A_92, %mul3A_110 : vector<1000x128xf32>
    %dot_general3A_112 = arith.constant dense<0.000000e+00> : vector<1000x128xf32>
    %dot_general3A_113 = tpu.matmul %exp3A_104, %slice3A_93, %dot_general3A_112 {dimension_numbers = #tpu.dot_dimension_numbers<[1], [0], [0], [1], [0, 0, 1, 1], [], []>, transpose_lhs_hint = false} : vector<1000x1000xf32>, vector<1000x128xf32>, vector<1000x128xf32> -> vector<1000x128xf32>
    %add3A_114 = arith.addf %mul3A_111, %dot_general3A_113 : vector<1000x128xf32>
    %div3A = vector.broadcast %add3A_109 : vector<1000x1xf32> to vector<1000x128xf32>
    %div3A_115 = arith.divf %add3A_114, %div3A : vector<1000x128xf32>
    %sub3A_116 = arith.subf %get3A_3, %div3A_115 : vector<1000x128xf32>
    %swap3A = arith.constant 0 : index
    %swap3A_117 = arith.constant 0 : index
    %swap3A_118 = arith.constant 0 : index
    %swap3A_119 = vector.load %arg3[%swap3A, %swap3A_117, %swap3A_118] : memref<1x1000x128xf32, #tpu.memory_space<vmem>>, vector<1x1000x128xf32>
    %swap3A_120 = vector.shape_cast %swap3A_119 : vector<1x1000x128xf32> to vector<1000x128xf32>
    %swap3A_121 = vector.shape_cast %sub3A_116 : vector<1000x128xf32> to vector<1x1000x128xf32>
    tpu.vector_store %arg3[%swap3A, %swap3A_117, %swap3A_118], %swap3A_121 {strides = array<i32>} : memref<1x1000x128xf32, #tpu.memory_space<vmem>>, vector<1x1000x128xf32>,
    return
  }
  func.func @transform_0(%arg0: i32) -> (i32, i32, i32) {
    %jit3A = arith.constant 5 : i32
    %div3A = arith.divsi %arg0, %jit3A : i32
    %sign3A = arith.constant 0 : i32
    %sign3A_0 = arith.cmpi sgt, %arg0, %sign3A : i32
    %sign3A_1 = arith.extui %sign3A_0 : i1 to i32
    %sign3A_2 = arith.constant 0 : i32
    %sign3A_3 = arith.cmpi slt, %arg0, %sign3A_2 : i32
    %sign3A_4 = arith.extui %sign3A_3 : i1 to i32
    %sign3A_5 = arith.subi %sign3A_1, %sign3A_4 : i32
    %sign3A_6 = arith.constant 0 : i32
    %sign3A_7 = arith.cmpi sgt, %jit3A, %sign3A_6 : i32
    %sign3A_8 = arith.extui %sign3A_7 : i1 to i32
    %sign3A_9 = arith.constant 0 : i32
    %sign3A_10 = arith.cmpi slt, %jit3A, %sign3A_9 : i32
    %sign3A_11 = arith.extui %sign3A_10 : i1 to i32
    %sign3A_12 = arith.subi %sign3A_8, %sign3A_11 : i32
    %ne3A = arith.cmpi ne, %sign3A_5, %sign3A_12 : i32
    %rem3A = arith.remsi %arg0, %jit3A : i32
    %ne3A_13 = arith.constant 0 : i32
    %ne3A_14 = arith.cmpi ne, %rem3A, %ne3A_13 : i32
    %and3A = arith.andi %ne3A, %ne3A_14 : i1
    %sub3A = arith.constant 1 : i32
    %sub3A_15 = arith.subi %div3A, %sub3A : i32
    %select_n3A = arith.select %and3A, %sub3A_15, %div3A : i32
    %jit3A_16 = arith.constant 5 : i32
    %eq3A = arith.constant 0 : i32
    %eq3A_17 = arith.cmpi eq, %jit3A_16, %eq3A : i32
    %jit3A_18 = arith.constant 1 : i32
    %select_n3A_19 = arith.select %eq3A_17, %jit3A_18, %jit3A_16 : i32
    %rem3A_20 = arith.remsi %arg0, %select_n3A_19 : i32
    %ne3A_21 = arith.constant 0 : i32
    %ne3A_22 = arith.cmpi ne, %rem3A_20, %ne3A_21 : i32
    %lt3A = arith.constant 0 : i32
    %lt3A_23 = arith.cmpi slt, %rem3A_20, %lt3A : i32
    %lt3A_24 = arith.constant 0 : i32
    %lt3A_25 = arith.cmpi slt, %select_n3A_19, %lt3A_24 : i32
    %ne3A_26 = arith.xori %lt3A_23, %lt3A_25 : i1
    %and3A_27 = arith.andi %ne3A_26, %ne3A_22 : i1
    %add3A = arith.addi %rem3A_20, %select_n3A_19 : i32
    %select_n3A_28 = arith.select %and3A_27, %add3A, %rem3A_20 : i32
    %c0_i32 = arith.constant 0 : i32
    %c0_i32_29 = arith.constant 0 : i32
    return %select_n3A, %select_n3A_28, %c0_i32 : i32, i32, i32
  }
  func.func @transform_1(%arg0: i32) -> (i32, i32, i32) {
    %jit3A = arith.constant 5 : i32
    %div3A = arith.divsi %arg0, %jit3A : i32
    %sign3A = arith.constant 0 : i32
    %sign3A_0 = arith.cmpi sgt, %arg0, %sign3A : i32
    %sign3A_1 = arith.extui %sign3A_0 : i1 to i32
    %sign3A_2 = arith.constant 0 : i32
    %sign3A_3 = arith.cmpi slt, %arg0, %sign3A_2 : i32
    %sign3A_4 = arith.extui %sign3A_3 : i1 to i32
    %sign3A_5 = arith.subi %sign3A_1, %sign3A_4 : i32
    %sign3A_6 = arith.constant 0 : i32
    %sign3A_7 = arith.cmpi sgt, %jit3A, %sign3A_6 : i32
    %sign3A_8 = arith.extui %sign3A_7 : i1 to i32
    %sign3A_9 = arith.constant 0 : i32
    %sign3A_10 = arith.cmpi slt, %jit3A, %sign3A_9 : i32
    %sign3A_11 = arith.extui %sign3A_10 : i1 to i32
    %sign3A_12 = arith.subi %sign3A_8, %sign3A_11 : i32
    %ne3A = arith.cmpi ne, %sign3A_5, %sign3A_12 : i32
    %rem3A = arith.remsi %arg0, %jit3A : i32
    %ne3A_13 = arith.constant 0 : i32
    %ne3A_14 = arith.cmpi ne, %rem3A, %ne3A_13 : i32
    %and3A = arith.andi %ne3A, %ne3A_14 : i1
    %sub3A = arith.constant 1 : i32
    %sub3A_15 = arith.subi %div3A, %sub3A : i32
    %select_n3A = arith.select %and3A, %sub3A_15, %div3A : i32
    %sub3A_16 = arith.constant 1 : i32
    %sub3A_17 = arith.subi %sub3A_16, %select_n3A : i32
    %c0_i32 = arith.constant 0 : i32
    %c0_i32_18 = arith.constant 0 : i32
    %c0_i32_19 = arith.constant 0 : i32
    return %sub3A_17, %c0_i32, %c0_i32_18 : i32, i32, i32
  }
  func.func @transform_2(%arg0: i32) -> (i32, i32, i32) {
    %jit3A = arith.constant 5 : i32
    %div3A = arith.divsi %arg0, %jit3A : i32
    %sign3A = arith.constant 0 : i32
    %sign3A_0 = arith.cmpi sgt, %arg0, %sign3A : i32
    %sign3A_1 = arith.extui %sign3A_0 : i1 to i32
    %sign3A_2 = arith.constant 0 : i32
    %sign3A_3 = arith.cmpi slt, %arg0, %sign3A_2 : i32
    %sign3A_4 = arith.extui %sign3A_3 : i1 to i32
    %sign3A_5 = arith.subi %sign3A_1, %sign3A_4 : i32
    %sign3A_6 = arith.constant 0 : i32
    %sign3A_7 = arith.cmpi sgt, %jit3A, %sign3A_6 : i32
    %sign3A_8 = arith.extui %sign3A_7 : i1 to i32
    %sign3A_9 = arith.constant 0 : i32
    %sign3A_10 = arith.cmpi slt, %jit3A, %sign3A_9 : i32
    %sign3A_11 = arith.extui %sign3A_10 : i1 to i32
    %sign3A_12 = arith.subi %sign3A_8, %sign3A_11 : i32
    %ne3A = arith.cmpi ne, %sign3A_5, %sign3A_12 : i32
    %rem3A = arith.remsi %arg0, %jit3A : i32
    %ne3A_13 = arith.constant 0 : i32
    %ne3A_14 = arith.cmpi ne, %rem3A, %ne3A_13 : i32
    %and3A = arith.andi %ne3A, %ne3A_14 : i1
    %sub3A = arith.constant 1 : i32
    %sub3A_15 = arith.subi %div3A, %sub3A : i32
    %select_n3A = arith.select %and3A, %sub3A_15, %div3A : i32
    %jit3A_16 = arith.constant 5 : i32
    %eq3A = arith.constant 0 : i32
    %eq3A_17 = arith.cmpi eq, %jit3A_16, %eq3A : i32
    %jit3A_18 = arith.constant 1 : i32
    %select_n3A_19 = arith.select %eq3A_17, %jit3A_18, %jit3A_16 : i32
    %rem3A_20 = arith.remsi %arg0, %select_n3A_19 : i32
    %ne3A_21 = arith.constant 0 : i32
    %ne3A_22 = arith.cmpi ne, %rem3A_20, %ne3A_21 : i32
    %lt3A = arith.constant 0 : i32
    %lt3A_23 = arith.cmpi slt, %rem3A_20, %lt3A : i32
    %lt3A_24 = arith.constant 0 : i32
    %lt3A_25 = arith.cmpi slt, %select_n3A_19, %lt3A_24 : i32
    %ne3A_26 = arith.xori %lt3A_23, %lt3A_25 : i1
    %and3A_27 = arith.andi %ne3A_26, %ne3A_22 : i1
    %add3A = arith.addi %rem3A_20, %select_n3A_19 : i32
    %select_n3A_28 = arith.select %and3A_27, %add3A, %rem3A_20 : i32
    %c0_i32 = arith.constant 0 : i32
    %c0_i32_29 = arith.constant 0 : i32
    return %select_n3A, %select_n3A_28, %c0_i32 : i32, i32, i32
  }
}

module attributes {stable_mosaic.version = 14 : i64} {
  func.func @_final_body(%arg0: i32, %arg1: memref<1x2000x128xbf16, #tpu.memory_space<vmem>>, %arg2: memref<1x2000x128xbf16, #tpu.memory_space<vmem>>, %arg3: memref<2000x32xf32, #tpu.memory_space<vmem>>, %arg4: memref<2000x128xf32, #tpu.memory_space<vmem>>, %arg5: memref<2000x128xf32, #tpu.memory_space<vmem>>, %arg6: memref<128x128xf32, #tpu.memory_space<vmem>>, %arg7: memref<1x128xf32, #tpu.memory_space<vmem>>, %arg8: memref<128x384xf32, #tpu.memory_space<vmem>>, %arg9: memref<128x384xf32, #tpu.memory_space<vmem>>, %arg10: memref<1x384xf32, #tpu.memory_space<vmem>>, %arg11: memref<128x384xf32, #tpu.memory_space<vmem>>, %arg12: memref<1x384xf32, #tpu.memory_space<vmem>>, %arg13: memref<2000x128xf32, #tpu.memory_space<vmem>>) attributes {dimension_semantics = [#tpu.dimension_semantics<arbitrary>], iteration_bounds = array<i64: 5>, scalar_prefetch = 0 : i64, scratch_operands = 0 : i64, tpu.core_type = #tpu.core_type<tc>, window_params = [{transform_indices = @transform_0, window_bounds = array<i64: 1, 2000, 128>}, {transform_indices = @transform_1, window_bounds = array<i64: 1, 2000, 128>}, {transform_indices = @transform_2, window_bounds = array<i64: 2000, 32>}, {transform_indices = @transform_3, window_bounds = array<i64: 2000, 128>}, {transform_indices = @transform_4, window_bounds = array<i64: 2000, 128>}, {pipeline_mode = #tpu.pipeline_mode<synchronous>, transform_indices = @transform_5, window_bounds = array<i64: 128, 128>}, {pipeline_mode = #tpu.pipeline_mode<synchronous>, transform_indices = @transform_6, window_bounds = array<i64: 1, 128>}, {pipeline_mode = #tpu.pipeline_mode<synchronous>, transform_indices = @transform_7, window_bounds = array<i64: 128, 384>}, {pipeline_mode = #tpu.pipeline_mode<synchronous>, transform_indices = @transform_8, window_bounds = array<i64: 128, 384>}, {pipeline_mode = #tpu.pipeline_mode<synchronous>, transform_indices = @transform_9, window_bounds = array<i64: 1, 384>}, {pipeline_mode = #tpu.pipeline_mode<synchronous>, transform_indices = @transform_10, window_bounds = array<i64: 128, 384>}, {pipeline_mode = #tpu.pipeline_mode<synchronous>, transform_indices = @transform_11, window_bounds = array<i64: 1, 384>}, {transform_indices = @transform_12, window_bounds = array<i64: 2000, 128>}]} {
    %get3A = arith.constant 0 : index
    %get3A_0 = arith.constant 0 : index
    %get3A_1 = arith.constant 0 : index
    %get3A_2 = vector.load %arg1[%get3A, %get3A_0, %get3A_1] : memref<1x2000x128xbf16, #tpu.memory_space<vmem>>, vector<1x2000x128xbf16>
    %get3A_3 = vector.shape_cast %get3A_2 : vector<1x2000x128xbf16> to vector<2000x128xbf16>
    %convert_element_type3A = arith.extf %get3A_3 : vector<2000x128xbf16> to vector<2000x128xf32>
    %get3A_4 = arith.constant 0 : index
    %get3A_5 = arith.constant 0 : index
    %get3A_6 = arith.constant 0 : index
    %get3A_7 = vector.load %arg2[%get3A_4, %get3A_5, %get3A_6] : memref<1x2000x128xbf16, #tpu.memory_space<vmem>>, vector<1x2000x128xbf16>
    %get3A_8 = vector.shape_cast %get3A_7 : vector<1x2000x128xbf16> to vector<2000x128xbf16>
    %convert_element_type3A_9 = arith.extf %get3A_8 : vector<2000x128xbf16> to vector<2000x128xf32>
    %add3A = arith.addf %convert_element_type3A, %convert_element_type3A_9 : vector<2000x128xf32>
    %get3A_10 = arith.constant 0 : index
    %get3A_11 = arith.constant 0 : index
    %get3A_12 = vector.load %arg3[%get3A_10, %get3A_11] : memref<2000x32xf32, #tpu.memory_space<vmem>>, vector<2000x32xf32>
    %reduce_sum3A = arith.constant dense<0.000000e+00> : vector<2000xf32>
    %reduce_sum3A_13 = vector.multi_reduction <add>, %get3A_12, %reduce_sum3A [1] : vector<2000x32xf32> to vector<2000xf32>
    %broadcast_in_dim3A = vector.shape_cast %reduce_sum3A_13 : vector<2000xf32> to vector<2000x1xf32>
    %get3A_14 = arith.constant 0 : index
    %get3A_15 = arith.constant 0 : index
    %get3A_16 = vector.load %arg6[%get3A_14, %get3A_15] : memref<128x128xf32, #tpu.memory_space<vmem>>, vector<128x128xf32>
    %dot_general3A = arith.constant dense<0.000000e+00> : vector<2000x128xf32>
    %dot_general3A_17 = tpu.matmul %add3A, %get3A_16, %dot_general3A {dimension_numbers = #tpu.dot_dimension_numbers<[1], [0], [0], [1], [0, 0, 1, 1], [], []>, transpose_lhs_hint = false} : vector<2000x128xf32>, vector<128x128xf32>, vector<2000x128xf32> -> vector<2000x128xf32>
    %get3A_18 = arith.constant 0 : index
    %get3A_19 = arith.constant 0 : index
    %get3A_20 = vector.load %arg7[%get3A_18, %get3A_19] : memref<1x128xf32, #tpu.memory_space<vmem>>, vector<1x128xf32>
    %mul3A = vector.broadcast %broadcast_in_dim3A : vector<2000x1xf32> to vector<2000x128xf32>
    %mul3A_21 = vector.broadcast %get3A_20 : vector<1x128xf32> to vector<2000x128xf32>
    %mul3A_22 = arith.mulf %mul3A, %mul3A_21 : vector<2000x128xf32>
    %add3A_23 = arith.addf %dot_general3A_17, %mul3A_22 : vector<2000x128xf32>
    %get3A_24 = arith.constant 0 : index
    %get3A_25 = arith.constant 0 : index
    %get3A_26 = vector.load %arg4[%get3A_24, %get3A_25] : memref<2000x128xf32, #tpu.memory_space<vmem>>, vector<2000x128xf32>
    %get3A_27 = arith.constant 0 : index
    %get3A_28 = arith.constant 0 : index
    %get3A_29 = vector.load %arg5[%get3A_27, %get3A_28] : memref<2000x128xf32, #tpu.memory_space<vmem>>, vector<2000x128xf32>
    %get3A_30 = arith.constant 0 : index
    %get3A_31 = arith.constant 0 : index
    %get3A_32 = vector.load %arg8[%get3A_30, %get3A_31] : memref<128x384xf32, #tpu.memory_space<vmem>>, vector<128x384xf32>
    %dot_general3A_33 = arith.constant dense<0.000000e+00> : vector<2000x384xf32>
    %dot_general3A_34 = tpu.matmul %add3A_23, %get3A_32, %dot_general3A_33 {dimension_numbers = #tpu.dot_dimension_numbers<[1], [0], [0], [1], [0, 0, 1, 1], [], []>, transpose_lhs_hint = false} : vector<2000x128xf32>, vector<128x384xf32>, vector<2000x384xf32> -> vector<2000x384xf32>
    %get3A_35 = arith.constant 0 : index
    %get3A_36 = arith.constant 0 : index
    %get3A_37 = vector.load %arg9[%get3A_35, %get3A_36] : memref<128x384xf32, #tpu.memory_space<vmem>>, vector<128x384xf32>
    %dot_general3A_38 = arith.constant dense<0.000000e+00> : vector<2000x384xf32>
    %dot_general3A_39 = tpu.matmul %get3A_26, %get3A_37, %dot_general3A_38 {dimension_numbers = #tpu.dot_dimension_numbers<[1], [0], [0], [1], [0, 0, 1, 1], [], []>, transpose_lhs_hint = false} : vector<2000x128xf32>, vector<128x384xf32>, vector<2000x384xf32> -> vector<2000x384xf32>
    %add3A_40 = arith.addf %dot_general3A_34, %dot_general3A_39 : vector<2000x384xf32>
    %get3A_41 = arith.constant 0 : index
    %get3A_42 = arith.constant 0 : index
    %get3A_43 = vector.load %arg10[%get3A_41, %get3A_42] : memref<1x384xf32, #tpu.memory_space<vmem>>, vector<1x384xf32>
    %add3A_44 = vector.broadcast %get3A_43 : vector<1x384xf32> to vector<2000x384xf32>
    %add3A_45 = arith.addf %add3A_40, %add3A_44 : vector<2000x384xf32>
    %get3A_46 = arith.constant 0 : index
    %get3A_47 = arith.constant 0 : index
    %get3A_48 = vector.load %arg11[%get3A_46, %get3A_47] : memref<128x384xf32, #tpu.memory_space<vmem>>, vector<128x384xf32>
    %dot_general3A_49 = arith.constant dense<0.000000e+00> : vector<2000x384xf32>
    %dot_general3A_50 = tpu.matmul %get3A_29, %get3A_48, %dot_general3A_49 {dimension_numbers = #tpu.dot_dimension_numbers<[1], [0], [0], [1], [0, 0, 1, 1], [], []>, transpose_lhs_hint = false} : vector<2000x128xf32>, vector<128x384xf32>, vector<2000x384xf32> -> vector<2000x384xf32>
    %get3A_51 = arith.constant 0 : index
    %get3A_52 = arith.constant 0 : index
    %get3A_53 = vector.load %arg12[%get3A_51, %get3A_52] : memref<1x384xf32, #tpu.memory_space<vmem>>, vector<1x384xf32>
    %add3A_54 = vector.broadcast %get3A_53 : vector<1x384xf32> to vector<2000x384xf32>
    %add3A_55 = arith.addf %dot_general3A_50, %add3A_54 : vector<2000x384xf32>
    %slice3A = vector.extract_strided_slice %add3A_45 {offsets = [0, 0], sizes = [2000, 128], strides = [1, 1]} : vector<2000x384xf32> to vector<2000x128xf32>
    %slice3A_56 = vector.extract_strided_slice %add3A_55 {offsets = [0, 0], sizes = [2000, 128], strides = [1, 1]} : vector<2000x384xf32> to vector<2000x128xf32>
    %add3A_57 = arith.addf %slice3A, %slice3A_56 : vector<2000x128xf32>
    %logistic3A = arith.negf %add3A_57 : vector<2000x128xf32>
    %logistic3A_58 = math.exp %logistic3A : vector<2000x128xf32>
    %logistic3A_59 = arith.constant 1.000000e+00 : f32
    %logistic3A_60 = vector.broadcast %logistic3A_59 : f32 to vector<2000x128xf32>
    %logistic3A_61 = arith.addf %logistic3A_60, %logistic3A_58 : vector<2000x128xf32>
    %logistic3A_62 = arith.divf %logistic3A_60, %logistic3A_61 : vector<2000x128xf32>
    %slice3A_63 = vector.extract_strided_slice %add3A_45 {offsets = [0, 128], sizes = [2000, 128], strides = [1, 1]} : vector<2000x384xf32> to vector<2000x128xf32>
    %slice3A_64 = vector.extract_strided_slice %add3A_55 {offsets = [0, 128], sizes = [2000, 128], strides = [1, 1]} : vector<2000x384xf32> to vector<2000x128xf32>
    %add3A_65 = arith.addf %slice3A_63, %slice3A_64 : vector<2000x128xf32>
    %logistic3A_66 = arith.negf %add3A_65 : vector<2000x128xf32>
    %logistic3A_67 = math.exp %logistic3A_66 : vector<2000x128xf32>
    %logistic3A_68 = arith.constant 1.000000e+00 : f32
    %logistic3A_69 = vector.broadcast %logistic3A_68 : f32 to vector<2000x128xf32>
    %logistic3A_70 = arith.addf %logistic3A_69, %logistic3A_67 : vector<2000x128xf32>
    %logistic3A_71 = arith.divf %logistic3A_69, %logistic3A_70 : vector<2000x128xf32>
    %slice3A_72 = vector.extract_strided_slice %add3A_45 {offsets = [0, 256], sizes = [2000, 128], strides = [1, 1]} : vector<2000x384xf32> to vector<2000x128xf32>
    %slice3A_73 = vector.extract_strided_slice %add3A_55 {offsets = [0, 256], sizes = [2000, 128], strides = [1, 1]} : vector<2000x384xf32> to vector<2000x128xf32>
    %mul3A_74 = arith.mulf %logistic3A_62, %slice3A_73 : vector<2000x128xf32>
    %add3A_75 = arith.addf %slice3A_72, %mul3A_74 : vector<2000x128xf32>
    %tanh3A = math.tanh %add3A_75 : vector<2000x128xf32>
    %sub3A = arith.constant 1.000000e+00 : f32
    %sub3A_76 = vector.broadcast %sub3A : f32 to vector<2000x128xf32>
    %sub3A_77 = arith.subf %sub3A_76, %logistic3A_71 : vector<2000x128xf32>
    %mul3A_78 = arith.mulf %sub3A_77, %tanh3A : vector<2000x128xf32>
    %mul3A_79 = arith.mulf %logistic3A_71, %get3A_29 : vector<2000x128xf32>
    %add3A_80 = arith.addf %mul3A_78, %mul3A_79 : vector<2000x128xf32>
    %swap3A = arith.constant 0 : index
    %swap3A_81 = arith.constant 0 : index
    %swap3A_82 = vector.load %arg13[%swap3A, %swap3A_81] : memref<2000x128xf32, #tpu.memory_space<vmem>>, vector<2000x128xf32>
    tpu.vector_store %arg13[%swap3A, %swap3A_81], %add3A_80 {strides = array<i32>} : memref<2000x128xf32, #tpu.memory_space<vmem>>, vector<2000x128xf32>,
    return
  }
  func.func @transform_0(%arg0: i32) -> (i32, i32, i32) {
    %c0_i32 = arith.constant 0 : i32
    %c0_i32_0 = arith.constant 0 : i32
    %c0_i32_1 = arith.constant 0 : i32
    return %c0_i32, %arg0, %c0_i32_0 : i32, i32, i32
  }
  func.func @transform_1(%arg0: i32) -> (i32, i32, i32) {
    %c1_i32 = arith.constant 1 : i32
    %c0_i32 = arith.constant 0 : i32
    %c0_i32_0 = arith.constant 0 : i32
    return %c1_i32, %arg0, %c0_i32 : i32, i32, i32
  }
  func.func @transform_2(%arg0: i32) -> (i32, i32) {
    %c0_i32 = arith.constant 0 : i32
    %c0_i32_0 = arith.constant 0 : i32
    return %arg0, %c0_i32 : i32, i32
  }
  func.func @transform_3(%arg0: i32) -> (i32, i32) {
    %c0_i32 = arith.constant 0 : i32
    %c0_i32_0 = arith.constant 0 : i32
    return %arg0, %c0_i32 : i32, i32
  }
  func.func @transform_4(%arg0: i32) -> (i32, i32) {
    %c0_i32 = arith.constant 0 : i32
    %c0_i32_0 = arith.constant 0 : i32
    return %arg0, %c0_i32 : i32, i32
  }
  func.func @transform_5(%arg0: i32) -> (i32, i32) {
    %c0_i32 = arith.constant 0 : i32
    %c0_i32_0 = arith.constant 0 : i32
    %c0_i32_1 = arith.constant 0 : i32
    return %c0_i32, %c0_i32_0 : i32, i32
  }
  func.func @transform_6(%arg0: i32) -> (i32, i32) {
    %c0_i32 = arith.constant 0 : i32
    %c0_i32_0 = arith.constant 0 : i32
    %c0_i32_1 = arith.constant 0 : i32
    return %c0_i32, %c0_i32_0 : i32, i32
  }
  func.func @transform_7(%arg0: i32) -> (i32, i32) {
    %c0_i32 = arith.constant 0 : i32
    %c0_i32_0 = arith.constant 0 : i32
    %c0_i32_1 = arith.constant 0 : i32
    return %c0_i32, %c0_i32_0 : i32, i32
  }
  func.func @transform_8(%arg0: i32) -> (i32, i32) {
    %c0_i32 = arith.constant 0 : i32
    %c0_i32_0 = arith.constant 0 : i32
    %c0_i32_1 = arith.constant 0 : i32
    return %c0_i32, %c0_i32_0 : i32, i32
  }
  func.func @transform_9(%arg0: i32) -> (i32, i32) {
    %c0_i32 = arith.constant 0 : i32
    %c0_i32_0 = arith.constant 0 : i32
    %c0_i32_1 = arith.constant 0 : i32
    return %c0_i32, %c0_i32_0 : i32, i32
  }
  func.func @transform_10(%arg0: i32) -> (i32, i32) {
    %c0_i32 = arith.constant 0 : i32
    %c0_i32_0 = arith.constant 0 : i32
    %c0_i32_1 = arith.constant 0 : i32
    return %c0_i32, %c0_i32_0 : i32, i32
  }
  func.func @transform_11(%arg0: i32) -> (i32, i32) {
    %c0_i32 = arith.constant 0 : i32
    %c0_i32_0 = arith.constant 0 : i32
    %c0_i32_1 = arith.constant 0 : i32
    return %c0_i32, %c0_i32_0 : i32, i32
  }
  func.func @transform_12(%arg0: i32) -> (i32, i32) {
    %c0_i32 = arith.constant 0 : i32
    %c0_i32_0 = arith.constant 0 : i32
    return %arg0, %c0_i32 : i32, i32
  }
}

</mosaic_0001>

<sc_bundles>
// kernel: kernel.7.cloned.1.call-start
scs
__scs_entry_jumppad:
0x0: {  	(pc) =	sbr.rel $0x88, $3  }
0x1: {  	(tag) =	ssettag $0x0;
	lr =	simm.s32 $0x1  }
0x2: {  	[smem:$0x3F96] =	sst lr;
	_ =	strace $0xD0000000  }
0x3: {  	_ = 	snop  }
0x4: {  	_ = 	snop  }
0x5: {  	_ = 	snop  }
0x6: {  	_ = 	snop  }
0x7: {  	_ = 	snop  }
__scs_overlays_trampoline_lowered:
0x8: {  	[smem:$0x3FA5] =	sst s0  }
0x9: {  	[smem:$0x3FA6] =	sst s1  }
0xa: {  	[smem:$0x3FA7] =	sst s2  }
0xb: {  	[smem:$0x3FA8] =	sst s3  }
0xc: {  	[smem:$0x3FA9] =	sst s4  }
0xd: {  	[smem:$0x3FAA] =	sst s5  }
0xe: {  	[smem:$0x3FAB] =	sst s6  }
0xf: {  	[smem:$0x3FAC] =	sst s7  }
0x10: {  	[smem:$0x3FAD] =	sst s8  }
0x11: {  	[smem:$0x3FAE] =	sst s9;
	s0 =	simm.s32 @!p0 $0x0  }
0x12: {  	s1 =	sld [smem:$0x3F94];
	s0 =	simm.s32 @p0 $0x1  }
0x13: {  	[smem:$0x3FAF] =	sst s0;
	s0 =	simm.s32 @!p1 $0x0  }
0x14: {  	s2 =	sld [smem:$0x3F93];
	s0 =	simm.s32 @p1 $0x1  }
0x15: {  	[smem:$0x3FB0] =	sst s0;
	s0 =	simm.s32 @!p2 $0x0  }
0x16: {  	s3 =	sld [smem:$0x3FDB];
	s0 =	simm.s32 @p2 $0x1  }
0x17: {  	s4 =	simm.s32 $0x1BF5;
	[smem:$0x3FB2] =	sst s0  }
0x18: {  	s0 =	sld [smem:$0x3F95];
	_ =	swait.ge [sflag:s4], $0x0  }
0x19: {  	s7 =	sld [smem:$0x3F96]  }
0x1a: {  	s8 =	sadd.s32 $0xFFFFE003, lr  }
0x1b: {  	s9 =	sadd.s32 $0xFFFFFEF7, lr;
	s5 =	simm.s32 $0xFFFFFFFF;
	p2 =	slt.u32 s8, $0xFFFFF086  }
0x1c: {  	p1 =	slt.u32 s9, $0xF7A;
	s5 =	simm.s32 @!p2 $0x0  }
0x1d: {  	s5 =	simm.s32 @p1 $0x1;
	p0 =	seq.s32 s7, s2  }
0x1e: {  	s7 =	smul.u32 @!p0 $0xF7A, s2;
	p2 =	seq.s32 @!p0 s5, $0x0  }
0x1f: {  	s9 =	smul.u32 $0xF7A, s1;
	s8 =	simm.s32 @!p0 $0x1BF5;
	p2 =	por !p2, p0  }
0x20: {  	[sflag:s8] =	ssyncset.s32 @!p0 $0xFFFFF086;
	s6 =	sadd.s32 @!p0 s3, s7;
	s7 =	simm.s32 @!p0 $0x108  }
0x21: {  	s3 =	sadd.s32 s3, s9;
	s6 =	sadd.s32 @!p0 $0x88, s6;
	s7 =	simm.s32 @p2 $0x1082  }
0x22: {  	[simem:s7], [sflag:s8] =	dma.local @!p0 [hbm:s6], $0xF7A  }
0x23: {  	s9 =	sor.u32 $0xD0000000, s2;
	s6 =	simm.s32 $0x108;
	_ =	swait.ge @!p0 [sflag:s8], $0x0  }
0x24: {  	s3 =	sadd.s32 $0x88, s3;
	s6 =	simm.s32 @!p1 $0x1082;
	[sflag:s4] =	ssyncset.s32 $0xFFFFF086  }
0x25: {  	[simem:s6], [sflag:s4] =	dma.local [hbm:s3], $0xF7A  }
0x26: {  	[smem:$0x3F96] =	sst s1;
	(tag) =	ssettag s2;
	_ =	strace s9  }
0x27: {  	s1 =	sld [smem:$0x3FA6]  }
0x28: {  	s2 =	sld [smem:$0x3FA7]  }
0x29: {  	s4 =	sld [smem:$0x3FA9]  }
0x2a: {  	p0 =	seq.s32 s5, $0x0;
	s5 =	sld [smem:$0x3FAA]  }
0x2b: {  	s6 =	sld [smem:$0x3FAB]  }
0x2c: {  	s7 =	sld [smem:$0x3FAC]  }
0x2d: {  	s3 =	simm.s32 $0x108;
	s8 =	sld [smem:$0x3FAD]  }
0x2e: {  	s3 =	simm.s32 @!p0 $0x1082;
	s9 =	sld [smem:$0x3FAE]  }
0x2f: {  	lr =	sadd.s32 s0, s3;
	s0 =	sld [smem:$0x3FA5]  }
0x30: {  	s3 =	sld [smem:$0x3FA8]  }
0x31: {  	[smem:$0x3FB1] =	sst s10  }
0x32: {  	s10 =	sld [smem:$0x3FAF];
	_ =	sdelay $0x3  }
0x33: {  	p0 =	seq.s32 s10, $0x1;
	s10 =	sld [smem:$0x3FB1];
	_ =	sdelay $0x3  }
0x34: {  	[smem:$0x3FB1] =	sst s10  }
0x35: {  	s10 =	sld [smem:$0x3FB0];
	_ =	sdelay $0x3  }
0x36: {  	p1 =	seq.s32 s10, $0x1;
	s10 =	sld [smem:$0x3FB1];
	_ =	sdelay $0x3  }
0x37: {  	[smem:$0x3FB1] =	sst s10  }
0x38: {  	s10 =	sld [smem:$0x3FB2]  }
0x39: {  	_ = 	snop;
	(pc) =	sbr.ind lr, $3  }
0x3a: {  	_ = 	snop  }
0x3b: {  	_ = 	snop  }
0x3c: {  	p2 =	seq.s32 s10, $0x1;
	s10 =	sld [smem:$0x3FB1]  }
0x3d: {  	_ =	shalt  }
0x3e: {  	_ =	shalt  }
0x3f: {  	_ =	shalt  }
0x40: {  	_ =	shalt  }
0x41: {  	_ =	shalt  }
0x42: {  	_ =	shalt  }
0x43: {  	_ =	shalt  }
0x44: {  	_ =	shalt  }
0x45: {  	_ =	shalt  }
0x46: {  	_ =	shalt  }
0x47: {  	_ =	shalt  }
0x48: {  	_ =	shalt  }
0x49: {  	_ =	shalt  }
0x4a: {  	_ =	shalt  }
0x4b: {  	_ =	shalt  }
0x4c: {  	_ =	shalt  }
0x4d: {  	_ =	shalt  }
0x4e: {  	_ =	shalt  }
0x4f: {  	_ =	shalt  }
0x50: {  	_ =	shalt  }
0x51: {  	_ =	shalt  }
0x52: {  	_ =	shalt  }
0x53: {  	_ =	shalt  }
0x54: {  	_ =	shalt  }
0x55: {  	_ =	shalt  }
0x56: {  	_ =	shalt  }
0x57: {  	_ =	shalt  }
0x58: {  	_ =	shalt  }
0x59: {  	_ =	shalt  }
0x5a: {  	_ =	shalt  }
0x5b: {  	_ =	shalt  }
0x5c: {  	_ =	shalt  }
0x5d: {  	_ =	shalt  }
0x5e: {  	_ =	shalt  }
0x5f: {  	_ =	shalt  }
0x60: {  	_ =	shalt  }
0x61: {  	_ =	shalt  }
0x62: {  	_ =	shalt  }
0x63: {  	_ =	shalt  }
0x64: {  	_ =	shalt  }
0x65: {  	_ =	shalt  }
0x66: {  	_ =	shalt  }
0x67: {  	_ =	shalt  }
0x68: {  	_ =	shalt  }
0x69: {  	_ =	shalt  }
0x6a: {  	_ =	shalt  }
0x6b: {  	_ =	shalt  }
0x6c: {  	_ =	shalt  }
0x6d: {  	_ =	shalt  }
0x6e: {  	_ =	shalt  }
0x6f: {  	_ =	shalt  }
0x70: {  	_ =	shalt  }
0x71: {  	_ =	shalt  }
0x72: {  	_ =	shalt  }
0x73: {  	_ =	shalt  }
0x74: {  	_ =	shalt  }
0x75: {  	_ =	shalt  }
0x76: {  	_ =	shalt  }
0x77: {  	_ =	shalt  }
0x78: {  	_ =	shalt  }
0x79: {  	_ =	shalt  }
0x7a: {  	_ =	shalt  }
0x7b: {  	_ =	shalt  }
0x7c: {  	_ =	shalt  }
0x7d: {  	_ =	shalt  }
0x7e: {  	_ =	shalt  }
0x7f: {  	_ =	shalt  }
0x80: {  	_ =	shalt  }
0x81: {  	_ =	shalt  }
0x82: {  	_ =	shalt  }
0x83: {  	_ =	shalt  }
0x84: {  	_ =	shalt  }
0x85: {  	_ =	shalt  }
0x86: {  	_ =	shalt  }
0x87: {  	_ =	shalt  }
.Lfunc_end0:
.L_simem_size_0:
called_computation.1_lowered:
.L_overlay_start_0:
0x88: {  	s2 =	sld [smem:$0x3FD9]  }
0x89: {  	s3 =	sld [smem:$0x3FFE];
	_ =	sdelay $0x1  }
0x8a: {  	s1 =	srdreg.scid  }
0x8b: {  	s0 =	sand.u32 $0x1, s1  }
0x8c: {  	s17 =	sshll.u32 s0, $0xA;
	s2 =	sadd.s32 s3, s2  }
0x8d: {  	s2 =	sadd.s32 s2, s17  }
0x8e: {  	[smem:$0x3FBD] =	sst s2  }
0x8f: {  	_ = 	snop  }
0x90: {  	s2 =	sld [smem:$0x3FD0];
	(tm) =	ssettm $0x1  }
0x91: {  	s18 =	sld [smem:$0x3FFB];
	_ =	sdelay $0x3  }
0x92: {  	_ =	strace s18  }
0x93: {  	s3 =	sld [smem:$0x3FFC];
	_ =	sdelay $0x3  }
0x94: {  	_ =	strace s3  }
0x95: {  	s3 =	sld [smem:$0x3FFD];
	_ =	sdelay $0x3  }
0x96: {  	_ =	strace s3  }
0x97: {  	_ =	strace $0x8FFFFFFF  }
0x98: {  	s19 =	sld [smem:$0x3FDB];
	_ =	sdelay $0x1  }
0x99: {  	s4 =	simm.s32 $_scs_section_size  }
0x9a: {  	s5 =	simm.s32 $_size__tile_overlayer_lowered;
	s6 =	simm.s32 $_tile_overlayer_lowered  }
0x9b: {  	s22 =	simm.s32 $0x1BFF;
	s21 =	sshll.u32 s6, $0x1;
	s3 =	sadd.s32 s4, s19  }
0x9c: {  	s7 =	simm.s32 $0x0;
	s20 =	sshll.u32 s5, $0x1;
	s5 =	sadd.s32 s21, s3  }
0x9d: {  	[timem:s7], [sflag:s22] =	dma.local [hbm:s5], s20  }
0x9e: {  	_ =	swait.ge [sflag:s22], s20  }
0x9f: {  	s4 =	ssub.s32 $0x0, s20;
	[sflag:s22] =	ssyncset.done $0x0  }
0xa0: {  	[sflag:s22] =	ssyncadd.s32 s4;
	_ =	sdelay $0x1  }
0xa1: {  	s23 =	simm.s32 $0x1B8B  }
0xa2: {  	_ =	swait.ge [sflag:s23], $0x1  }
0xa3: {  	[sflag:s23] =	ssyncset.done $0x0  }
0xa4: {  	s25 =	simm.s32 $0x1B8E;
	s24 =	sld [smem:$0x3FFE];
	[sflag:s23] =	ssyncadd.s32 $0xFFFFFFFF  }
0xa5: {  	s26 =	simm.s32 $execute0_lowered;
	[smem:$0x3FD2] =	sst s25  }
0xa6: {  	s5 =	sshll.u32 s26, $0x1;
	_ =	strace $0x80000049;
	[dreg:$0x1] =	wrdreg $0xFFFFFFFF  }
0xa7: {  	s28 =	simm.s32 $_size_execute0_lowered;
	s3 =	sadd.s32 s3, s5;
	[dreg:$0x0] =	wrdreg $0x0  }
0xa8: {  	s5 =	sshll.u32 s28, $0x1;
	[dreg:$0x2] =	wrdreg s3  }
0xa9: {  	[dreg:$0x3] =	wrdreg s5  }
0xaa: {  	[dreg:$0x4] =	wrdreg $0xC0  }
0xab: {  	_ =	task [dreg:s7], $0x5FFFF  }
0xac: {  	[dreg:$0x1] =	wrdreg $0xFFFFFFFF  }
0xad: {  	[dreg:$0x0] =	wrdreg $0x60  }
0xae: {  	[dreg:$0x2] =	wrdreg s24  }
0xaf: {  	[dreg:$0x3] =	wrdreg s2  }
0xb0: {  	[dreg:$0x4] =	wrdreg $0x138000  }
0xb1: {  	[dreg:$0x5] =	wrdreg $0x9  }
0xb2: {  	_ =	task.clear_ibuf [dreg:s7], $0x6FFFF;
	_ =	strace $0x90000049  }
0xb3: {  	s29 =	simm.s32 $0x9;
	_ =	strace $0x8000004B  }
0xb4: {  	_ =	swait.ge [sflag:s29], $0x1  }
0xb5: {  	[sflag:s29] =	ssyncadd.s32 $0xFFFFFFFF  }
0xb6: {  	_ =	strace $0x9000004B  }
0xb7: {  	_ =	sfence  }
0xb8: {  	s30 =	sld [smem:$0x0];
	_ =	sdelay $0x2  }
0xb9: {  	s31 =	sshll.u32 s1, $0xD;
	s1 =	sshrl.u32 s1, $0x2  }
0xba: {  	s3 =	sand.u32 $0x4000, s31;
	s1 =	sadd.s32 s1, s30  }
0xbb: {  	s0 =	sor.u32 s3, s0;
	s1 =	sshll.u32 s1, $0x11  }
0xbc: {  	s0 =	sor.u32 s1, s0  }
0xbd: {  	s0 =	sadd.s32 $0x8F2B, s0  }
0xbe: {  	[sflag:s0] =	ssyncadd.remote.s32 $0x1  }
0xbf: {  	_ =	sfence.sel $0xFFFF  }
0xc0: {  	[dreg:$0x0] =	wrdreg $0xFFFFFFFF;
	(pc) =	sbr.abs _section_cstart, $3  }
0xc1: {  	[dreg:$0x1] =	wrdreg $0xFFFFFFFF  }
0xc2: {  	_ =	task.clear_ibuf [dreg:s7], $0x2FFFF;
	_ =	strace $0x9FFFFFFF  }
0xc3: {  	(tm) =	ssettm $0x7FFFFFFF  }
tec
execute0_lowered:
.L_overlay_start_1:
0x0: {  	(tag) =	ssettag $0x1  }
0x1: {  	s0 =	rddreg [dreg:$0x0]  }
0x2: {  	s2 =	rddreg [dreg:$0x1]  }
0x3: {  	s1 =	rddreg [dreg:$0x2];
	s4 =	srdreg.scid;
	s3 =	simm.s32 $0x0  }
0x4: {  	s13 =	stileid.u32;
	s30 =	simm.s32 $0xB000;
	s31 =	simm.s32 $0xD000  }
0x5: {  	s28 =	simm.s32 $0x11000;
	s29 =	simm.s32 $0x2;
	s8 =	sand.u32 $0x1, s4  }
0x6: {  	[smem:$0x7FF] =	sst s3;
	s5 =	sadd.s32 $0x516200, s0;
	s7 =	sadd.s32 $0x2800, s0  }
0x7: {  	s15 =	sadd.s32 $0x282800, s0;
	s14 =	smul.u32 $0x14000, s13;
	s4 =	sshll.u32 s8, $0x4  }
0x8: {  	_ =	strace $0x8000004A;
	s10 =	ssub.s32 $0x2, s8;
	s8 =	smul.u32 $0x140000, s8  }
0x9: {  	s9 =	sor.u32 s13, s4;
	s4 =	sadd.s32 $0x502800, s0;
	s12 =	sshrl.u32 s10, $0x1  }
0xa: {  	s22 =	sshrl.u32 s14, $0x1;
	s17 =	sadd.s32 $0x4000, s14;
	s18 =	sadd.s32 $0x8000, s14  }
0xb: {  	s19 =	sadd.s32 $0xC000, s14;
	s20 =	sadd.s32 $0x10000, s14;
	s6 =	smul.u32 $0x2800, s9  }
0xc: {  	s16 =	ssub.s32 s10, s12;
	s10 =	sadd.s32 s22, s1;
	s23 =	sshrl.u32 s17, $0x1  }
0xd: {  	s24 =	sshrl.u32 s18, $0x1;
	s25 =	sshrl.u32 s19, $0x1;
	s26 =	sshrl.u32 s20, $0x1  }
0xe: {  	s9 =	smul.u32 $0x14000, s9;
	s21 =	sadd.s32 s14, s8;
	s17 =	sadd.s32 s8, s17  }
0xf: {  	s12 =	sadd.s32 s24, s1;
	s13 =	sadd.s32 s25, s1;
	s14 =	sadd.s32 s26, s1  }
0x10: {  	s21 =	sshrl.u32 s21, $0x4;
	s17 =	sshrl.u32 s17, $0x4;
	s24 =	sadd.s32 s8, s19  }
0x11: {  	s11 =	sshrl.u32 s6, $0x3;
	s9 =	sadd.s32 s7, s9;
	s22 =	sadd.s32 s15, s17  }
0x12: {  	s17 =	simm.s32 $0x2800;
	s0 =	sadd.s32 s11, s0;
	[dreg:$0x6] =	wrdreg s9  }
0x13: {  	s2 =	sadd.s32 s2, s11;
	s11 =	sadd.s32 s23, s1;
	[dreg:$0x8] =	wrdreg s22  }
0x14: {  	s23 =	sadd.s32 s8, s18;
	s8 =	sadd.s32 s8, s20;
	s9 =	sshrl.u32 s24, $0x4  }
0x15: {  	s22 =	smax.u32 s16, $0x1;
	[dreg:$0x4] =	wrdreg s2;
	s2 =	sadd.s32 $0xA000, s2  }
0x16: {  	s8 =	sshrl.u32 s8, $0x4;
	s25 =	sadd.s32 s15, s9;
	[dreg:$0x5] =	wrdreg s2  }
0x17: {  	s9 =	simm.s32 $0x0;
	s2 =	sadd.s32 s15, s21;
	[dreg:$0xa] =	wrdreg s25  }
0x18: {  	s26 =	sadd.s32 s15, s8;
	s21 =	sadd.s32 $0x2AA800, s0;
	s25 =	simm.s32 $0x5000  }
0x19: {  	s0 =	simm.s32 $0xF000;
	[dreg:$0x7] =	wrdreg s2;
	s2 =	sshrl.u32 s23, $0x4  }
0x1a: {  	[dreg:$0xb] =	wrdreg s26;
	s23 =	simm.s32 $0x3;
	s2 =	sadd.s32 s15, s2  }
0x1b: {  	v0 =	vimm.f32 $0.0e+00;
	v1 =	vimm.bf16 $0.0e+00;
	v2 =	vimm.f32 $1.000000000e+00;
	s26 =	simm.s32 $0x80;
	[dreg:$0x9] =	wrdreg s2;
	s2 =	simm.s32 $0x1  }
.LBB2_1:
0x1c: {  	s8 =	simm.s32 $0x40;
	s15 =	simm.s32 $0x0  }
.LBB2_2:
0x1d: {  	p0 =	sne.s32 s8, $0x9FC0;
	[tilespmem:s15+$0x11000] =	vst v0;
	s15 =	smov.u32 s8;
	s8 =	sadd.s32 $0x40, s8  }
.Ltmp0:
0x1e: {  	(pc) =	sbr.rel @p0 .LBB2_2-.Ltmp0, $2  }
0x1f: {  	_ =	sdelay $0x2  }
0x20: {  	s15 =	sshra.s32 s15, $0x2  }
0x21: {  	[tilespmem:s15+$0x11000] =	vst v0;
	s8 =	simm.s32 $0x0;
	s20 =	rddreg [dreg:$0x4]  }
0x22: {  	[tilespmem:s8], [sflag:$0x3] =	stream.linear.gather [hbm4b:s20+s8], $0x2800, $0x38;
	[tilespmem:$0x1D800] =	vst v63  }
0x23: {  	_ =	swait.ge [sflag:s23], $0x2800  }
0x24: {  	[sflag:s23] =	ssyncset.done $0x0  }
0x25: {  	s24 =	rddreg [dreg:$0x5];
	[sflag:s23] =	ssyncadd.s32 $0xFFFFD800  }
0x26: {  	[tilespmem:s17], [sflag:$0x3] =	stream.linear.gather [hbm4b:s24+s8], $0x2800, $0x38;
	[tilespmem:$0x1D800] =	vst v63  }
0x27: {  	_ =	swait.ge [sflag:s23], $0x2800  }
0x28: {  	[sflag:s23] =	ssyncset.done $0x0  }
0x29: {  	s15 =	simm.s32 $0x100;
	s8 =	simm.s32 $0x0;
	[sflag:s23] =	ssyncadd.s32 $0xFFFFD800  }
.LBB2_4:
0x2a: {  	p0 =	sne.s32 s15, $0x7F00;
	[tilespmem:s8+$0x5030] =	vst v1;
	s16 =	smov.u32 s15;
	s15 =	sadd.s32 $0x100, s15  }
.Ltmp1:
0x2b: {  	[tilespmem:s8+$0x5020] =	vst v1;
	(pc) =	sbr.rel @p0 .LBB2_4-.Ltmp1, $3  }
0x2c: {  	[tilespmem:s8+$0x5000] =	vst v1  }
0x2d: {  	[tilespmem:s8+$0x5010] =	vst v1;
	_ =	sdelay $0x1  }
0x2e: {  	s8 =	sshra.s32 s16, $0x2  }
0x2f: {  	[tilespmem:s8+$0x5030] =	vst v1  }
0x30: {  	[tilespmem:s8+$0x5020] =	vst v1  }
0x31: {  	[tilespmem:s8+$0x5000] =	vst v1  }
0x32: {  	[tilespmem:s8+$0x5010] =	vst v1  }
0x33: {  	[spmem:s10] =	stream.linear.scatter [tilespmem:s25], [sflag:$0x3], $0x2000, $0x38;
	[tilespmem:$0x1D800] =	vst v63  }
0x34: {  	_ =	swait.ge [sflag:s23], $0x2000  }
0x35: {  	[sflag:s23] =	ssyncset.done $0x0  }
0x36: {  	[sflag:s23] =	ssyncadd.s32 $0xFFFFE000  }
0x37: {  	[spmem:s11] =	stream.linear.scatter [tilespmem:s25], [sflag:$0x3], $0x2000, $0x38;
	[tilespmem:$0x1D800] =	vst v63  }
0x38: {  	_ =	swait.ge [sflag:s23], $0x2000  }
0x39: {  	[sflag:s23] =	ssyncset.done $0x0  }
0x3a: {  	[sflag:s23] =	ssyncadd.s32 $0xFFFFE000  }
0x3b: {  	[spmem:s12] =	stream.linear.scatter [tilespmem:s25], [sflag:$0x3], $0x2000, $0x38;
	[tilespmem:$0x1D800] =	vst v63  }
0x3c: {  	_ =	swait.ge [sflag:s23], $0x2000  }
0x3d: {  	[sflag:s23] =	ssyncset.done $0x0  }
0x3e: {  	[sflag:s23] =	ssyncadd.s32 $0xFFFFE000  }
0x3f: {  	[spmem:s13] =	stream.linear.scatter [tilespmem:s25], [sflag:$0x3], $0x2000, $0x38;
	[tilespmem:$0x1D800] =	vst v63  }
0x40: {  	_ =	swait.ge [sflag:s23], $0x2000  }
0x41: {  	[sflag:s23] =	ssyncset.done $0x0  }
0x42: {  	[sflag:s23] =	ssyncadd.s32 $0xFFFFE000  }
0x43: {  	[spmem:s14] =	stream.linear.scatter [tilespmem:s25], [sflag:$0x3], $0x2000, $0x38;
	[tilespmem:$0x1D800] =	vst v63  }
0x44: {  	_ =	swait.ge [sflag:s23], $0x2000  }
0x45: {  	[sflag:s23] =	ssyncset.done $0x0  }
0x46: {  	[sflag:s23] =	ssyncadd.s32 $0xFFFFE000  }
0x47: {  	s8 =	simm.s32 $0x0;
	[bflag:$0x0] =	sbarrier.arrive $0xFFFF  }
0x48: {  	[tilespmem:s25], [sflag:$0x1] =	stream.indirect.gather [hbm4b:s4+s26], $0x40, s8, s26, $0xb8;
	[tilespmem:$0x1D800] =	vst v63  }
0x49: {  	s15 =	simm.s32 $0x7000  }
0x4a: {  	[tilespmem:s15], [sflag:$0x1] =	stream.indirect.gather [hbm4b:s5+s26], $0x40, s17, s26, $0xb8;
	[tilespmem:$0x1D800] =	vst v63  }
0x4b: {  	s16 =	simm.s32 $0x9000;
	s24 =	rddreg [dreg:$0x6];
	s15 =	simm.s32 $0x0  }
0x4c: {  	[tilespmem:s16], [sflag:$0x1] =	stream.linear.gather [hbm4b:s24+s8], $0x2000, $0x38;
	[tilespmem:$0x1D800] =	vst v63  }
.LBB2_6:
0x4d: {  	s24 =	sshll.u32 s15, $0x8  }
0x4e: {  	s16 =	sor.u32 $0x80, s24  }
0x4f: {  	[tilespmem:s30], [sflag:$0x2] =	stream.indirect.gather [hbm4b:s4+s26], $0x40, s16, s26, $0xb8;
	[tilespmem:$0x1D800] =	vst v63  }
0x50: {  	s18 =	sadd.s32 s6, s16  }
0x51: {  	s17 =	sadd.s32 $0x2880, s24;
	s18 =	sshll.u32 s18, $0x3  }
0x52: {  	[tilespmem:s31], [sflag:$0x2] =	stream.indirect.gather [hbm4b:s5+s26], $0x40, s17, s26, $0xb8;
	[tilespmem:$0x1D800] =	vst v63  }
0x53: {  	s18 =	sand.u32 $0xFFFFC00, s18  }
0x54: {  	s18 =	sadd.s32 s7, s18  }
0x55: {  	[tilespmem:s0], [sflag:$0x2] =	stream.linear.gather [hbm4b:s18+s8], $0x2000, $0x38;
	[tilespmem:$0x1D800] =	vst v63  }
0x56: {  	_ =	swait.ge [sflag:s2], $0x2000  }
0x57: {  	[sflag:s2] =	ssyncset.done $0x0  }
0x58: {  	[sflag:s2] =	ssyncadd.s32 $0xFFFFE000  }
0x59: {  	_ =	swait.ge [sflag:s2], $0x2000  }
0x5a: {  	[sflag:s2] =	ssyncset.done $0x0  }
0x5b: {  	[sflag:s2] =	ssyncadd.s32 $0xFFFFE000  }
0x5c: {  	_ =	swait.ge [sflag:s2], $0x2000  }
0x5d: {  	[sflag:s2] =	ssyncset.done $0x0  }
0x5e: {  	s18 =	simm.s32 $0x0;
	[sflag:s2] =	ssyncadd.s32 $0xFFFFE000  }
0x5f: {  	v7 =	vld [tilespmem:s18+$0x9000]  }
0x60: {  	v8 =	vld [tilespmem:s18+$0x9010]  }
0x61: {  	v6 =	vld [tilespmem:s18+$0x7000]  }
0x62: {  	v5 =	vld [tilespmem:s18+$0x7010]  }
0x63: {  	v3 =	vld [tilespmem:s18+$0x7020]  }
0x64: {  	v4 =	vld [tilespmem:s18+$0x7030]  }
0x65: {  	v10 =	vld [tilespmem:s18+$0x5000]  }
0x66: {  	v11 =	vld [tilespmem:s18+$0x5010]  }
0x67: {  	s19 =	simm.s32 $0x100;
	v9 =	vld [tilespmem:s18+$0x5020]  }
.LBB2_7:
0x68: {  	p0 =	sne.s32 s19, $0x7F00;
	v12 =	vld [tilespmem:s18+$0x5030]  }
0x69: {  	v13 =	vld [tilespmem:s18+$0x9020]  }
0x6a: {  	s20 =	sshra.s32 s19, $0x2;
	v6 =	vadd.bf16 v6, v10;
	v10 =	vld [tilespmem:s18+$0x9030]  }
0x6b: {  	v14 =	vld [tilespmem:s20+$0x9000];
	v5 =	vadd.bf16 v5, v11  }
0x6c: {  	v11 =	vld [tilespmem:s20+$0x9010];
	v7 =	vadd.bf16 v7, v6;
	v3 =	vadd.bf16 v3, v9  }
0x6d: {  	v6 =	vld [tilespmem:s20+$0x7000];
	v8 =	vadd.bf16 v8, v5;
	v4 =	vadd.bf16 v4, v12  }
0x6e: {  	v5 =	vld [tilespmem:s20+$0x7010];
	v15 =	vmax.bf16 v7, v1;
	v9 =	vadd.bf16 v13, v3  }
.Ltmp2:
0x6f: {  	v3 =	vld [tilespmem:s20+$0x7020];
	[tilespmem:s18+$0x5000] =	vst v15;
	v12 =	vmax.bf16 v8, v1;
	v13 =	vadd.bf16 v10, v4;
	(pc) =	sbr.rel @p0 .LBB2_7-.Ltmp2, $4  }
0x70: {  	v4 =	vld [tilespmem:s20+$0x7030];
	[tilespmem:s18+$0x5010] =	vst v12;
	v9 =	vmax.bf16 v9, v1;
	v7 =	vmov v14  }
0x71: {  	v10 =	vld [tilespmem:s20+$0x5000];
	[tilespmem:s18+$0x5020] =	vst v9;
	v9 =	vmax.bf16 v13, v1;
	v8 =	vmov v11  }
0x72: {  	v11 =	vld [tilespmem:s20+$0x5010];
	[tilespmem:s18+$0x5030] =	vst v9;
	s18 =	smov.u32 s20  }
0x73: {  	s19 =	sadd.s32 $0x100, s19;
	v9 =	vld [tilespmem:s18+$0x5020]  }
0x74: {  	v12 =	vld [tilespmem:s18+$0x5030]  }
0x75: {  	v13 =	vld [tilespmem:s18+$0x9020]  }
0x76: {  	v6 =	vadd.bf16 v6, v10;
	v10 =	vld [tilespmem:s18+$0x9030]  }
0x77: {  	v5 =	vadd.bf16 v5, v11  }
0x78: {  	v6 =	vadd.bf16 v7, v6;
	v3 =	vadd.bf16 v3, v9  }
0x79: {  	v5 =	vadd.bf16 v8, v5;
	v4 =	vadd.bf16 v4, v12  }
0x7a: {  	v6 =	vmax.bf16 v6, v1;
	v3 =	vadd.bf16 v13, v3  }
0x7b: {  	[tilespmem:s18+$0x5000] =	vst v6;
	v5 =	vmax.bf16 v5, v1;
	v4 =	vadd.bf16 v10, v4  }
0x7c: {  	[tilespmem:s18+$0x5010] =	vst v5;
	v3 =	vmax.bf16 v3, v1  }
0x7d: {  	[tilespmem:s18+$0x5020] =	vst v3;
	v3 =	vmax.bf16 v4, v1  }
0x7e: {  	s20 =	sadd.s32 $0x2800, s24;
	[tilespmem:s18+$0x5030] =	vst v3  }
0x7f: {  	[spmem:s1] =	stream.indirect.scatter.add.bf16 [tilespmem:s25], [sflag:$0x3], $0x40, s20, s26, $0xb8;
	[tilespmem:$0x1D800] =	vst v63  }
0x80: {  	_ =	swait.ge [sflag:s23], $0x2000  }
0x81: {  	[sflag:s23] =	ssyncset.done $0x0  }
0x82: {  	[sflag:s23] =	ssyncadd.s32 $0xFFFFE000  }
0x83: {  	v3 =	vld [tilespmem:s24+$0x2800];
	_ =	sdelay $0x7  }
0x84: {  	[tilespmem:v3+s28+$0x0] =	vst.idx.add.f32.msk $0xffff, v2  }
0x85: {  	v3 =	vld [tilespmem:s24+$0x2810];
	_ =	sdelay $0x7  }
0x86: {  	[tilespmem:v3+s28+$0x0] =	vst.idx.add.f32.msk $0xffff, v2  }
0x87: {  	v3 =	vld [tilespmem:s24+$0x2820];
	_ =	sdelay $0x7  }
0x88: {  	[tilespmem:v3+s28+$0x0] =	vst.idx.add.f32.msk $0xffff, v2  }
0x89: {  	v3 =	vld [tilespmem:s24+$0x2830];
	_ =	sdelay $0x7  }
0x8a: {  	[tilespmem:v3+s28+$0x0] =	vst.idx.add.f32.msk $0xffff, v2  }
0x8b: {  	v3 =	vld [tilespmem:s24+$0x2840];
	_ =	sdelay $0x7  }
0x8c: {  	[tilespmem:v3+s28+$0x0] =	vst.idx.add.f32.msk $0xffff, v2  }
0x8d: {  	v3 =	vld [tilespmem:s24+$0x2850];
	_ =	sdelay $0x7  }
0x8e: {  	[tilespmem:v3+s28+$0x0] =	vst.idx.add.f32.msk $0xffff, v2  }
0x8f: {  	v3 =	vld [tilespmem:s24+$0x2860];
	_ =	sdelay $0x7  }
0x90: {  	[tilespmem:v3+s28+$0x0] =	vst.idx.add.f32.msk $0xffff, v2  }
0x91: {  	v3 =	vld [tilespmem:s24+$0x2870];
	_ =	sdelay $0x6  }
0x92: {  	p0 =	seq.s32 s15, $0x27  }
0x93: {  	s19 =	simm.s32 @!p0 $0x80;
	s18 =	sadd.s32 @!p0 $0x100, s24;
	s20 =	simm.s32 @!p0 $0x5000;
	[tilespmem:v3+s28+$0x0] =	vst.idx.add.f32.msk $0xffff, v2  }
0x94: {  	[tilespmem:s20], [sflag:$0x1] =	stream.indirect.gather @!p0 [hbm4b:s4+s19], $0x40, s18, s19, $0xb8;
	[tilespmem:$0x1D800] =	vst v63  }
0x95: {  	s18 =	sadd.s32 @!p0 s6, s18  }
0x96: {  	s20 =	sadd.s32 @!p0 $0x2900, s24;
	s24 =	simm.s32 @!p0 $0x7000;
	s18 =	sshll.u32 @!p0 s18, $0x3  }
0x97: {  	[tilespmem:s24], [sflag:$0x1] =	stream.indirect.gather @!p0 [hbm4b:s5+s19], $0x40, s20, s19, $0xb8;
	[tilespmem:$0x1D800] =	vst v63  }
0x98: {  	s18 =	sand.u32 @!p0 $0xFFFF800, s18  }
0x99: {  	s19 =	simm.s32 @!p0 $0x0;
	s20 =	simm.s32 @!p0 $0x9000;
	s18 =	sadd.s32 @!p0 s7, s18  }
0x9a: {  	[tilespmem:s20], [sflag:$0x1] =	stream.linear.gather @!p0 [hbm4b:s18+s19], $0x2000, $0x38;
	[tilespmem:$0x1D800] =	vst v63  }
0x9b: {  	_ =	swait.ge [sflag:s29], $0x2000  }
0x9c: {  	[sflag:s29] =	ssyncset.done $0x0  }
0x9d: {  	[sflag:s29] =	ssyncadd.s32 $0xFFFFE000  }
0x9e: {  	_ =	swait.ge [sflag:s29], $0x2000  }
0x9f: {  	[sflag:s29] =	ssyncset.done $0x0  }
0xa0: {  	[sflag:s29] =	ssyncadd.s32 $0xFFFFE000  }
0xa1: {  	_ =	swait.ge [sflag:s29], $0x2000  }
0xa2: {  	[sflag:s29] =	ssyncset.done $0x0  }
0xa3: {  	s18 =	simm.s32 $0x0;
	[sflag:s29] =	ssyncadd.s32 $0xFFFFE000  }
0xa4: {  	v7 =	vld [tilespmem:s18+$0xF000]  }
0xa5: {  	v8 =	vld [tilespmem:s18+$0xF010]  }
0xa6: {  	v6 =	vld [tilespmem:s18+$0xD000]  }
0xa7: {  	v5 =	vld [tilespmem:s18+$0xD010]  }
0xa8: {  	v3 =	vld [tilespmem:s18+$0xD020]  }
0xa9: {  	v4 =	vld [tilespmem:s18+$0xD030]  }
0xaa: {  	v10 =	vld [tilespmem:s18+$0xB000]  }
0xab: {  	v11 =	vld [tilespmem:s18+$0xB010]  }
0xac: {  	s19 =	simm.s32 $0x100;
	v9 =	vld [tilespmem:s18+$0xB020]  }
.LBB2_9:
0xad: {  	p0 =	sne.s32 s19, $0x7F00;
	v12 =	vld [tilespmem:s18+$0xB030]  }
0xae: {  	v13 =	vld [tilespmem:s18+$0xF020]  }
0xaf: {  	s20 =	sshra.s32 s19, $0x2;
	v6 =	vadd.bf16 v6, v10;
	v10 =	vld [tilespmem:s18+$0xF030]  }
0xb0: {  	v14 =	vld [tilespmem:s20+$0xF000];
	v5 =	vadd.bf16 v5, v11  }
0xb1: {  	v11 =	vld [tilespmem:s20+$0xF010];
	v7 =	vadd.bf16 v7, v6;
	v3 =	vadd.bf16 v3, v9  }
0xb2: {  	v6 =	vld [tilespmem:s20+$0xD000];
	v8 =	vadd.bf16 v8, v5;
	v4 =	vadd.bf16 v4, v12  }
0xb3: {  	v5 =	vld [tilespmem:s20+$0xD010];
	v15 =	vmax.bf16 v7, v1;
	v9 =	vadd.bf16 v13, v3  }
.Ltmp3:
0xb4: {  	v3 =	vld [tilespmem:s20+$0xD020];
	[tilespmem:s18+$0xB000] =	vst v15;
	v12 =	vmax.bf16 v8, v1;
	v13 =	vadd.bf16 v10, v4;
	(pc) =	sbr.rel @p0 .LBB2_9-.Ltmp3, $4  }
0xb5: {  	v4 =	vld [tilespmem:s20+$0xD030];
	[tilespmem:s18+$0xB010] =	vst v12;
	v9 =	vmax.bf16 v9, v1;
	v7 =	vmov v14  }
0xb6: {  	v10 =	vld [tilespmem:s20+$0xB000];
	[tilespmem:s18+$0xB020] =	vst v9;
	v9 =	vmax.bf16 v13, v1;
	v8 =	vmov v11  }
0xb7: {  	v11 =	vld [tilespmem:s20+$0xB010];
	[tilespmem:s18+$0xB030] =	vst v9;
	s18 =	smov.u32 s20  }
0xb8: {  	s19 =	sadd.s32 $0x100, s19;
	v9 =	vld [tilespmem:s18+$0xB020]  }
0xb9: {  	v12 =	vld [tilespmem:s18+$0xB030]  }
0xba: {  	v13 =	vld [tilespmem:s18+$0xF020]  }
0xbb: {  	v63 =	vld [tilespmem:s18+$0xF030];
	v6 =	vadd.bf16 v6, v10  }
0xbc: {  	v5 =	vadd.bf16 v5, v11  }
0xbd: {  	v6 =	vadd.bf16 v7, v6;
	v3 =	vadd.bf16 v3, v9  }
0xbe: {  	v5 =	vadd.bf16 v8, v5;
	v4 =	vadd.bf16 v4, v12  }
0xbf: {  	v6 =	vmax.bf16 v6, v1;
	v3 =	vadd.bf16 v13, v3  }
0xc0: {  	[tilespmem:s18+$0xB000] =	vst v6;
	v5 =	vmax.bf16 v5, v1;
	v4 =	vadd.bf16 v63, v4  }
0xc1: {  	[tilespmem:s18+$0xB010] =	vst v5;
	v3 =	vmax.bf16 v3, v1  }
0xc2: {  	[tilespmem:s18+$0xB020] =	vst v3;
	v3 =	vmax.bf16 v4, v1  }
0xc3: {  	[tilespmem:s18+$0xB030] =	vst v3  }
0xc4: {  	[spmem:s1] =	stream.indirect.scatter.add.bf16 [tilespmem:s30], [sflag:$0x3], $0x40, s17, s26, $0xb8;
	[tilespmem:$0x1D800] =	vst v63  }
0xc5: {  	_ =	swait.ge [sflag:s23], $0x2000  }
0xc6: {  	[sflag:s23] =	ssyncset.done $0x0  }
0xc7: {  	[sflag:s23] =	ssyncadd.s32 $0xFFFFE000  }
0xc8: {  	v3 =	vld [tilespmem:s16+$0x2800];
	_ =	sdelay $0x7  }
0xc9: {  	[tilespmem:v3+s28+$0x0] =	vst.idx.add.f32.msk $0xffff, v2  }
0xca: {  	v3 =	vld [tilespmem:s16+$0x2810];
	_ =	sdelay $0x7  }
0xcb: {  	[tilespmem:v3+s28+$0x0] =	vst.idx.add.f32.msk $0xffff, v2  }
0xcc: {  	v3 =	vld [tilespmem:s16+$0x2820];
	_ =	sdelay $0x7  }
0xcd: {  	[tilespmem:v3+s28+$0x0] =	vst.idx.add.f32.msk $0xffff, v2  }
0xce: {  	v3 =	vld [tilespmem:s16+$0x2830];
	_ =	sdelay $0x7  }
0xcf: {  	[tilespmem:v3+s28+$0x0] =	vst.idx.add.f32.msk $0xffff, v2  }
0xd0: {  	v3 =	vld [tilespmem:s16+$0x2840];
	_ =	sdelay $0x7  }
0xd1: {  	[tilespmem:v3+s28+$0x0] =	vst.idx.add.f32.msk $0xffff, v2  }
0xd2: {  	v3 =	vld [tilespmem:s16+$0x2850];
	_ =	sdelay $0x7  }
0xd3: {  	[tilespmem:v3+s28+$0x0] =	vst.idx.add.f32.msk $0xffff, v2  }
0xd4: {  	v3 =	vld [tilespmem:s16+$0x2860];
	_ =	sdelay $0x7  }
0xd5: {  	[tilespmem:v3+s28+$0x0] =	vst.idx.add.f32.msk $0xffff, v2  }
0xd6: {  	v3 =	vld [tilespmem:s16+$0x2870];
	_ =	sdelay $0x1  }
0xd7: {  	s15 =	sadd.s32 $0x1, s15  }
0xd8: {  	p0 =	sne.s32 s15, $0x28  }
.Ltmp4:
0xd9: {  	_ = 	snop;
	(pc) =	sbr.rel @p0 .LBB2_6-.Ltmp4, $2  }
0xda: {  	_ =	sdelay $0x2  }
0xdb: {  	[tilespmem:v3+s28+$0x0] =	vst.idx.add.f32.msk $0xffff, v2  }
0xdc: {  	[bflag:$0x0] =	sbarrier.arrive $0xFFFF  }
0xdd: {  	[tilespmem:s25], [sflag:$0x3] =	stream.linear.gather [spmem:s10], $0x2000, $0x38;
	[tilespmem:$0x1D800] =	vst v63  }
0xde: {  	_ =	swait.ge [sflag:s23], $0x2000  }
0xdf: {  	[sflag:s23] =	ssyncset.done $0x0  }
0xe0: {  	s8 =	rddreg [dreg:$0x7];
	[sflag:s23] =	ssyncadd.s32 $0xFFFFE000  }
0xe1: {  	[hbm4b:s8+s3] =	stream.linear.scatter [tilespmem:s25], [sflag:$0x3], $0x2000, $0x38;
	[tilespmem:$0x1D800] =	vst v63  }
0xe2: {  	_ =	swait.ge [sflag:s23], $0x2000  }
0xe3: {  	[sflag:s23] =	ssyncset.done $0x0  }
0xe4: {  	[sflag:s23] =	ssyncadd.s32 $0xFFFFE000  }
0xe5: {  	[tilespmem:s25], [sflag:$0x3] =	stream.linear.gather [spmem:s11], $0x2000, $0x38;
	[tilespmem:$0x1D800] =	vst v63  }
0xe6: {  	_ =	swait.ge [sflag:s23], $0x2000  }
0xe7: {  	[sflag:s23] =	ssyncset.done $0x0  }
0xe8: {  	s18 =	rddreg [dreg:$0x8];
	[sflag:s23] =	ssyncadd.s32 $0xFFFFE000  }
0xe9: {  	[hbm4b:s18+s3] =	stream.linear.scatter [tilespmem:s25], [sflag:$0x3], $0x2000, $0x38;
	[tilespmem:$0x1D800] =	vst v63  }
0xea: {  	_ =	swait.ge [sflag:s23], $0x2000  }
0xeb: {  	[sflag:s23] =	ssyncset.done $0x0  }
0xec: {  	[sflag:s23] =	ssyncadd.s32 $0xFFFFE000  }
0xed: {  	[tilespmem:s25], [sflag:$0x3] =	stream.linear.gather [spmem:s12], $0x2000, $0x38;
	[tilespmem:$0x1D800] =	vst v63  }
0xee: {  	_ =	swait.ge [sflag:s23], $0x2000  }
0xef: {  	[sflag:s23] =	ssyncset.done $0x0  }
0xf0: {  	s19 =	rddreg [dreg:$0x9];
	[sflag:s23] =	ssyncadd.s32 $0xFFFFE000  }
0xf1: {  	[hbm4b:s19+s3] =	stream.linear.scatter [tilespmem:s25], [sflag:$0x3], $0x2000, $0x38;
	[tilespmem:$0x1D800] =	vst v63  }
0xf2: {  	_ =	swait.ge [sflag:s23], $0x2000  }
0xf3: {  	[sflag:s23] =	ssyncset.done $0x0  }
0xf4: {  	[sflag:s23] =	ssyncadd.s32 $0xFFFFE000  }
0xf5: {  	[tilespmem:s25], [sflag:$0x3] =	stream.linear.gather [spmem:s13], $0x2000, $0x38;
	[tilespmem:$0x1D800] =	vst v63  }
0xf6: {  	_ =	swait.ge [sflag:s23], $0x2000  }
0xf7: {  	[sflag:s23] =	ssyncset.done $0x0  }
0xf8: {  	s20 =	rddreg [dreg:$0xa];
	[sflag:s23] =	ssyncadd.s32 $0xFFFFE000  }
0xf9: {  	[hbm4b:s20+s3] =	stream.linear.scatter [tilespmem:s25], [sflag:$0x3], $0x2000, $0x38;
	[tilespmem:$0x1D800] =	vst v63  }
0xfa: {  	_ =	swait.ge [sflag:s23], $0x2000  }
0xfb: {  	[sflag:s23] =	ssyncset.done $0x0  }
0xfc: {  	[sflag:s23] =	ssyncadd.s32 $0xFFFFE000  }
0xfd: {  	[tilespmem:s25], [sflag:$0x3] =	stream.linear.gather [spmem:s14], $0x2000, $0x38;
	[tilespmem:$0x1D800] =	vst v63  }
0xfe: {  	_ =	swait.ge [sflag:s23], $0x2000  }
0xff: {  	[sflag:s23] =	ssyncset.done $0x0  }
0x100: {  	s24 =	rddreg [dreg:$0xb];
	[sflag:s23] =	ssyncadd.s32 $0xFFFFE000  }
0x101: {  	[hbm4b:s24+s3] =	stream.linear.scatter [tilespmem:s25], [sflag:$0x3], $0x2000, $0x38;
	[tilespmem:$0x1D800] =	vst v63  }
0x102: {  	s9 =	sadd.s32 $0x1, s9;
	_ =	swait.ge [sflag:s23], $0x2000  }
0x103: {  	p0 =	sne.s32 s9, s22;
	[sflag:s23] =	ssyncset.done $0x0  }
.Ltmp5:
0x104: {  	[sflag:s23] =	ssyncadd.s32 $0xFFFFE000;
	(pc) =	sbr.rel @p0 .LBB2_1-.Ltmp5, $4  }
0x105: {  	[hbm4b:s21+s3] =	stream.linear.scatter [tilespmem:s28], [sflag:$0x3], $0x2800, $0x38;
	[tilespmem:$0x1D800] =	vst v63  }
0x106: {  	_ =	swait.ge [sflag:s23], $0x2800  }
0x107: {  	[sflag:s23] =	ssyncset.done $0x0  }
0x108: {  	s17 =	simm.s32 $0x2800;
	[sflag:s23] =	ssyncadd.s32 $0xFFFFD800  }
0x109: {  	_ =	sfence.sel $0x180000  }
0x10a: {  	[bflag:$0x0] =	sbarrier.arrive $0xFFFF  }
0x10b: {  	_ =	strace $0x9000004A  }
0x10c: {  	s0 =	stileid.u32;
	[bflag:$0x2] =	sbarrier.arrive $0xFFFF  }
0x10d: {  	p0 =	sne.s32 s0, $0x0;
	s0 =	rddreg [dreg:$0x3]  }
0x10e: {  	s0 =	sadd.s32 @!p0 $0x100000, s0  }
0x10f: {  	[sflag:s0] =	ssyncadd.tile.s32 @!p0 $0x1;
	_ =	shalt  }
.Lfunc_end2:
_tile_overlayer_lowered:
.L_overlay_start_2:
0x110: {  	(tag) =	ssettag $0x2  }
0x111: {  	s0 =	rddreg [dreg:$0x0];
	s2 =	stileid.u32  }
0x112: {  	s1 =	rddreg [dreg:$0x1];
	p0 =	sne.s32 s2, $0x0  }
0x113: {  	s3 =	rddreg [dreg:$0x2];
	[bflag:$0x3] =	sbarrier.arrive $0xFFFF;
	s2 =	simm.s32 @!p0 $0x1C03  }
0x114: {  	[timem:s3], [sflag:s2] =	dma.local @!p0 [hbm:s0], s1  }
0x115: {  	s0 =	simm.s32 @!p0 $0x3  }
0x116: {  	_ =	swait.ge @!p0 [sflag:s0], s1  }
0x117: {  	s1 =	ssub.s32 @!p0 $0x0, s1;
	[sflag:s0] =	ssyncset.done @!p0 $0x0  }
0x118: {  	[sflag:s0] =	ssyncadd.s32 @!p0 s1  }
0x119: {  	[bflag:$0x3] =	sbarrier.arrive $0xFFFF  }
0x11a: {  	_ =	shalt  }

// kernel: sparse-core-data-format-call.cloned.1.call-start
scs
called_computation_lowered:
.L_overlay_start_0:
0x0: {  	s1 =	sld [smem:$0x3FD9]  }
0x1: {  	s2 =	sld [smem:$0x3FFE];
	_ =	sdelay $0x1  }
0x2: {  	s3 =	srdreg.scid  }
0x3: {  	s0 =	sand.u32 $0x1, s3  }
0x4: {  	s17 =	sshll.u32 s0, $0xA;
	s1 =	sadd.s32 s2, s1  }
0x5: {  	s1 =	sadd.s32 s1, s17  }
0x6: {  	[smem:$0x3FBD] =	sst s1  }
0x7: {  	_ = 	snop  }
0x8: {  	(tm) =	ssettm $0x1  }
0x9: {  	s18 =	sld [smem:$0x3FFB];
	_ =	sdelay $0x3  }
0xa: {  	_ =	strace s18  }
0xb: {  	s1 =	sld [smem:$0x3FFC];
	_ =	sdelay $0x3  }
0xc: {  	_ =	strace s1  }
0xd: {  	s1 =	sld [smem:$0x3FFD];
	_ =	sdelay $0x3  }
0xe: {  	_ =	strace s1  }
0xf: {  	_ =	strace $0x8FFFFFFF  }
0x10: {  	s19 =	sld [smem:$0x3FDB];
	_ =	sdelay $0x1  }
0x11: {  	s20 =	simm.s32 $_scs_section_size  }
0x12: {  	s4 =	simm.s32 $_size__tile_overlayer_lowered;
	s5 =	simm.s32 $_tile_overlayer_lowered  }
0x13: {  	s23 =	simm.s32 $0x1BFF;
	s22 =	sshll.u32 s5, $0x1;
	s1 =	sadd.s32 s20, s19  }
0x14: {  	s6 =	simm.s32 $0x0;
	s21 =	sshll.u32 s4, $0x1;
	s4 =	sadd.s32 s22, s1  }
0x15: {  	[timem:s6], [sflag:s23] =	dma.local [hbm:s4], s21  }
0x16: {  	_ =	swait.ge [sflag:s23], s21  }
0x17: {  	s2 =	ssub.s32 $0x0, s21;
	[sflag:s23] =	ssyncset.done $0x0  }
0x18: {  	[sflag:s23] =	ssyncadd.s32 s2;
	_ =	sdelay $0x1  }
0x19: {  	s24 =	simm.s32 $0x1B8B  }
0x1a: {  	_ =	swait.ge [sflag:s24], $0x1  }
0x1b: {  	[sflag:s24] =	ssyncset.done $0x0  }
0x1c: {  	s26 =	simm.s32 $0x1B8E;
	s25 =	sld [smem:$0x3FFE];
	[sflag:s24] =	ssyncadd.s32 $0xFFFFFFFF  }
0x1d: {  	s27 =	simm.s32 $execute0_lowered;
	[smem:$0x3FD2] =	sst s26  }
0x1e: {  	s4 =	sshll.u32 s27, $0x1;
	_ =	strace $0x80000046;
	[dreg:$0x1] =	wrdreg $0xFFFFFFFF  }
0x1f: {  	s28 =	simm.s32 $_size_execute0_lowered;
	s1 =	sadd.s32 s1, s4;
	[dreg:$0x0] =	wrdreg $0x0  }
0x20: {  	s4 =	sshll.u32 s28, $0x1;
	[dreg:$0x2] =	wrdreg s1  }
0x21: {  	[dreg:$0x3] =	wrdreg s4  }
0x22: {  	[dreg:$0x4] =	wrdreg $0xC0  }
0x23: {  	_ =	task [dreg:s6], $0x5FFFF  }
0x24: {  	[dreg:$0x1] =	wrdreg $0xFFFFFFFF  }
0x25: {  	[dreg:$0x0] =	wrdreg $0x60  }
0x26: {  	[dreg:$0x2] =	wrdreg s25  }
0x27: {  	[dreg:$0x3] =	wrdreg $0x9  }
0x28: {  	_ =	task.clear_ibuf [dreg:s6], $0x4FFFF;
	_ =	strace $0x90000046  }
0x29: {  	s29 =	simm.s32 $0x9;
	_ =	strace $0x80000048  }
0x2a: {  	_ =	swait.ge [sflag:s29], $0x1  }
0x2b: {  	[sflag:s29] =	ssyncadd.s32 $0xFFFFFFFF  }
0x2c: {  	_ =	strace $0x90000048  }
0x2d: {  	_ =	sfence  }
0x2e: {  	s30 =	sld [smem:$0x0];
	_ =	sdelay $0x2  }
0x2f: {  	s31 =	sshll.u32 s3, $0xD;
	s3 =	sshrl.u32 s3, $0x2  }
0x30: {  	s2 =	sand.u32 $0x4000, s31;
	s1 =	sadd.s32 s3, s30  }
0x31: {  	s0 =	sor.u32 s2, s0;
	s1 =	sshll.u32 s1, $0x11  }
0x32: {  	s0 =	sor.u32 s1, s0  }
0x33: {  	s0 =	sadd.s32 $0x8F2B, s0  }
0x34: {  	[sflag:s0] =	ssyncadd.remote.s32 $0x1  }
0x35: {  	_ =	sfence.sel $0xFFFF  }
0x36: {  	[dreg:$0x0] =	wrdreg $0xFFFFFFFF;
	(pc) =	sbr.abs _section_cstart, $3  }
0x37: {  	[dreg:$0x1] =	wrdreg $0xFFFFFFFF  }
0x38: {  	_ =	task.clear_ibuf [dreg:s6], $0x2FFFF;
	_ =	strace $0x9FFFFFFF  }
0x39: {  	(tm) =	ssettm $0x7FFFFFFF  }
tec
execute0_lowered:
.L_overlay_start_1:
0x0: {  	(tag) =	ssettag $0x1  }
0x1: {  	s0 =	srdreg.scid  }
0x2: {  	s1 =	sshll.u32 s0, $0x4  }
0x3: {  	s4 =	rddreg [dreg:$0x0];
	s0 =	stileid.u32;
	s1 =	sand.u32 $0x10, s1  }
0x4: {  	s7 =	simm.s32 $0x1;
	s8 =	simm.s32 $0x2;
	s2 =	sor.u32 s0, s1  }
0x5: {  	s9 =	simm.s32 $0x0;
	s12 =	simm.s32 $0x0;
	s2 =	sshll.u32 s2, $0x4  }
0x6: {  	s11 =	simm.s32 $0x0;
	s3 =	sadd.s32 $0x282800, s4;
	s6 =	ssub.s32 $0x5000, s2  }
.Ltmp0:
0x7: {  	s4 =	sadd.s32 $0x2800, s4;
	s5 =	sand.u32 $0x1F0, s6;
	(pc) =	sbr.rel .LBB1_1-.Ltmp0, $4  }
0x8: {  	s1 =	rddreg [dreg:$0x1];
	_ =	strace $0x80000047;
	p0 =	sne.s32 s5, $0x0  }
0x9: {  	s6 =	sshrl.u32 s6, $0x9;
	s5 =	simm.s32 $0x1;
	s7 =	simm.s32 @!p0 $0x0  }
0xa: {  	s10 =	smov.u32 s2;
	[sflag:s5] =	ssyncpa.u1 $0x0;
	s6 =	sadd.s32 s7, s6  }
0xb: {  	[sflag:s8] =	ssyncpa.u1 $0x0;
	s8 =	simm.s32 $0x0;
	s7 =	sadd.s32 $0x1, s6  }
.LBB1_7:
0xc: {  	s14 =	sadd.s32 $0x200, s10  }
0xd: {  	p1 =	sgt.s32 s14, $0x4FFF  }
0xe: {  	s14 =	smov.u32 @p1 s2;
	p1 =	sne.s32 s11, s7  }
.Ltmp1:
0xf: {  	p0 =	slt.u32 s11, $0x2;
	(pc) =	sbr.rel @!p1 .LBB1_8-.Ltmp1, $4  }
0x10: {  	s13 =	simm.s32 @!p0 $0x2  }
0x11: {  	s15 =	sadd.s32 $0x1, s11;
	_ =	swait.ge @!p0 [sflag:s13], $0x4000  }
0x12: {  	s12 =	smov.u32 s10;
	s9 =	sadd.s32 $0x8000, s9;
	[sflag:s13] =	ssyncset.done @!p0 $0x0  }
0x13: {  	s11 =	smov.u32 s15;
	s10 =	smov.u32 s14;
	[sflag:s13] =	ssyncadd.s32 @!p0 $0xFFFFC000  }
.LBB1_1:
0x14: {  	p0 =	sge.u32 s11, s6  }
0x15: {  	s13 =	sxor.u32 @!p0 $0xFFFFFFFF, s11  }
0x16: {  	s31 =	sadd.s32 $0xFFFFFFFF, s11;
	s14 =	sshll.u32 @!p0 s10, $0x7;
	s13 =	sshll.u32 @!p0 s13, $0xE  }
0x17: {  	s15 =	simm.s32 @!p0 $0x0;
	s14 =	sadd.s32 @!p0 s3, s14;
	s13 =	sand.u32 @!p0 $0x4000, s13  }
0x18: {  	[tilespmem:s13], [sflag:$0x1] =	stream.linear.gather @!p0 [hbm4b:s14+s15], $0x4000, $0x38;
	[tilespmem:$0x10000] =	vst v63  }
0x19: {  	p0 =	sge.u32 s31, s6  }
.Ltmp2:
0x1a: {  	_ = 	snop;
	(pc) =	sbr.rel @p0 .LBB1_7-.Ltmp2, $1  }
0x1b: {  	_ =	sdelay $0x3  }
0x1c: {  	s13 =	sshrl.u32 s9, $0x1;
	_ =	swait.ge [sflag:s5], $0x4000  }
0x1d: {  	s15 =	sshll.u32 s11, $0xE;
	s16 =	simm.s32 $0x0;
	s14 =	sand.u32 $0x4000, s13  }
0x1e: {  	[sflag:s5] =	ssyncset.done $0x0;
	s15 =	sand.u32 $0x4000, s15;
	s13 =	sor.u32 $0x200, s14  }
0x1f: {  	s14 =	sor.u32 $0x8080, s14;
	[sflag:s5] =	ssyncadd.s32 $0xFFFFC000;
	s15 =	sor.u32 $0x8000, s15  }
.LBB1_3:
0x20: {  	v0 =	vld [tilespmem:s13+$0xFFFFFE70]  }
0x21: {  	v1 =	vld [tilespmem:s13+$0x70]  }
0x22: {  	v2 =	vld [tilespmem:s13+$0x0]  }
0x23: {  	v3 =	vld [tilespmem:s13+$0xFFFFFE10]  }
0x24: {  	v4 =	vld [tilespmem:s13+$0x10]  }
0x25: {  	v5 =	vld [tilespmem:s13+$0xFFFFFE20]  }
0x26: {  	v7 =	vld [tilespmem:s13+$0x20]  }
0x27: {  	v11 =	vld [tilespmem:s13+$0x30];
	v6 =	vunpack.i.l.s16.s32 v0;
	v8 =	vunpack.i.u.s16.s32 v0;
	v9 =	vunpack.i.u.s16.s32 v1  }
0x28: {  	v10 =	vunpack.i.l.s16.s32 v1;
	v0 =	vunpack.i.u.s16.s32 v2;
	v1 =	vunpack.i.l.s16.s32 v2;
	v2 =	vld [tilespmem:s13+$0xFFFFFE30]  }
0x29: {  	v8 =	vpack.i.b32.b16 v9, v8;
	v9 =	vunpack.i.u.s16.s32 v3;
	v3 =	vunpack.i.l.s16.s32 v3  }
0x2a: {  	v12 =	vld [tilespmem:s13+$0xFFFFFE40];
	v6 =	vpack.i.b32.b16 v10, v6;
	[tilespmem:s14+$0x70] =	vst v8;
	v8 =	vunpack.i.u.s16.s32 v4;
	v4 =	vunpack.i.l.s16.s32 v4  }
0x2b: {  	v13 =	vld [tilespmem:s13+$0x40];
	v10 =	vunpack.i.u.s16.s32 v5;
	v5 =	vunpack.i.l.s16.s32 v5;
	[tilespmem:s14+$0xFFFFFFF0] =	vst v6;
	v3 =	vpack.i.b32.b16 v4, v3  }
0x2c: {  	v6 =	vunpack.i.l.s16.s32 v7;
	v4 =	vld [tilespmem:s13+$0xFFFFFE50];
	[tilespmem:s14+$0xFFFFFF90] =	vst v3;
	v3 =	vpack.i.b32.b16 v8, v9;
	v8 =	vunpack.i.u.s16.s32 v7  }
0x2d: {  	v7 =	vunpack.i.l.s16.s32 v11;
	[tilespmem:s14+$0x10] =	vst v3;
	v3 =	vpack.i.b32.b16 v6, v5;
	v9 =	vunpack.i.u.s16.s32 v2;
	v6 =	vld [tilespmem:s13+$0x50]  }
0x2e: {  	v5 =	vunpack.i.l.s16.s32 v2;
	v2 =	vld [tilespmem:s13+$0xFFFFFE60];
	[tilespmem:s14+$0xFFFFFFA0] =	vst v3;
	v3 =	vpack.i.b32.b16 v8, v10;
	v10 =	vunpack.i.u.s16.s32 v11  }
0x2f: {  	s19 =	simm.s32 $0x0;
	v11 =	vpack.i.b32.b16 v7, v5;
	v7 =	vunpack.i.u.s16.s32 v12;
	v8 =	vunpack.i.l.s16.s32 v12;
	[tilespmem:s14+$0x20] =	vst v3;
	v3 =	vld [tilespmem:s13+$0x60]  }
0x30: {  	s20 =	sadd.s32 $0x80, s13;
	s18 =	smov.u32 s14;
	s17 =	smov.u32 s14;
	v5 =	vld [tilespmem:s13+$0xFFFFFE00];
	[tilespmem:s14+$0xFFFFFFB0] =	vst v11;
	v10 =	vpack.i.b32.b16 v10, v9;
	v9 =	vunpack.i.u.s16.s32 v13;
	v11 =	vunpack.i.l.s16.s32 v13  }
.LBB1_4:
0x31: {  	v12 =	vld [tilespmem:s20+$0xFFFFFE70];
	[tilespmem:s18+$0x30] =	vst v10;
	v8 =	vpack.i.b32.b16 v11, v8;
	v10 =	vunpack.i.u.s16.s32 v4;
	v4 =	vunpack.i.l.s16.s32 v4  }
0x32: {  	s19 =	sadd.s32 $0x2, s19;
	v7 =	vpack.i.b32.b16 v9, v7;
	v11 =	vld [tilespmem:s20+$0x70];
	[tilespmem:s18+$0xFFFFFFC0] =	vst v8;
	v8 =	vunpack.i.u.s16.s32 v6;
	v6 =	vunpack.i.l.s16.s32 v6  }
0x33: {  	p0 =	slt.u32 s19, $0x6;
	v9 =	vld [tilespmem:s20+$0x0];
	[tilespmem:s18+$0x40] =	vst v7;
	v4 =	vpack.i.b32.b16 v6, v4;
	v6 =	vunpack.i.u.s16.s32 v2;
	v2 =	vunpack.i.l.s16.s32 v2  }
0x34: {  	v7 =	vld [tilespmem:s20+$0xFFFFFE10];
	[tilespmem:s18+$0xFFFFFFD0] =	vst v4;
	v4 =	vpack.i.b32.b16 v8, v10;
	v8 =	vunpack.i.u.s16.s32 v3;
	v3 =	vunpack.i.l.s16.s32 v3  }
0x35: {  	v10 =	vld [tilespmem:s20+$0x10];
	v13 =	vunpack.i.u.s16.s32 v5;
	v5 =	vunpack.i.l.s16.s32 v5;
	[tilespmem:s18+$0x50] =	vst v4;
	v2 =	vpack.i.b32.b16 v3, v2  }
0x36: {  	v3 =	vld [tilespmem:s20+$0xFFFFFE20];
	v4 =	vunpack.i.l.s16.s32 v12;
	v1 =	vpack.i.b32.b16 v1, v5;
	v5 =	vpack.i.b32.b16 v0, v13;
	[tilespmem:s18+$0xFFFFFFE0] =	vst v2  }
0x37: {  	v12 =	vunpack.i.u.s16.s32 v12;
	v2 =	vld [tilespmem:s20+$0x20];
	v13 =	vunpack.i.u.s16.s32 v11;
	v11 =	vunpack.i.l.s16.s32 v11;
	[tilespmem:s18+$0xFFFFFF80] =	vst v1  }
0x38: {  	s18 =	sadd.s32 $0x100, s18;
	v0 =	vunpack.i.u.s16.s32 v9;
	v1 =	vunpack.i.l.s16.s32 v9;
	v9 =	vld [tilespmem:s20+$0xFFFFFE30];
	v12 =	vpack.i.b32.b16 v13, v12;
	[tilespmem:s17+$0x0] =	vst v5  }
0x39: {  	v6 =	vpack.i.b32.b16 v8, v6;
	v5 =	vunpack.i.u.s16.s32 v7;
	v7 =	vunpack.i.l.s16.s32 v7;
	v13 =	vld [tilespmem:s20+$0x30];
	[tilespmem:s18+$0x70] =	vst v12  }
0x3a: {  	v4 =	vpack.i.b32.b16 v11, v4;
	v8 =	vunpack.i.u.s16.s32 v10;
	v10 =	vunpack.i.l.s16.s32 v10;
	v12 =	vld [tilespmem:s20+$0xFFFFFE40];
	[tilespmem:s17+$0x60] =	vst v6;
	s17 =	smov.u32 s18  }
0x3b: {  	v6 =	vpack.i.b32.b16 v10, v7;
	v7 =	vunpack.i.u.s16.s32 v3;
	v3 =	vunpack.i.l.s16.s32 v3;
	v11 =	vld [tilespmem:s20+$0x40];
	[tilespmem:s18+$0xFFFFFFF0] =	vst v4  }
.Ltmp3:
0x3c: {  	v5 =	vpack.i.b32.b16 v8, v5;
	[tilespmem:s18+$0xFFFFFF90] =	vst v6;
	v8 =	vunpack.i.u.s16.s32 v2;
	v2 =	vunpack.i.l.s16.s32 v2;
	v4 =	vld [tilespmem:s20+$0xFFFFFE50];
	(pc) =	sbr.rel @p0 .LBB1_4-.Ltmp3, $4  }
0x3d: {  	[tilespmem:s18+$0x10] =	vst v5;
	v2 =	vpack.i.b32.b16 v2, v3;
	v10 =	vunpack.i.u.s16.s32 v9;
	v3 =	vunpack.i.l.s16.s32 v9;
	v6 =	vld [tilespmem:s20+$0x50]  }
0x3e: {  	v5 =	vpack.i.b32.b16 v8, v7;
	[tilespmem:s18+$0xFFFFFFA0] =	vst v2;
	v9 =	vunpack.i.u.s16.s32 v13;
	v7 =	vunpack.i.l.s16.s32 v13;
	v2 =	vld [tilespmem:s20+$0xFFFFFE60]  }
0x3f: {  	[tilespmem:s18+$0x20] =	vst v5;
	v13 =	vpack.i.b32.b16 v7, v3;
	v7 =	vunpack.i.u.s16.s32 v12;
	v8 =	vunpack.i.l.s16.s32 v12;
	v3 =	vld [tilespmem:s20+$0x60]  }
0x40: {  	v10 =	vpack.i.b32.b16 v9, v10;
	v5 =	vld [tilespmem:s20+$0xFFFFFE00];
	[tilespmem:s18+$0xFFFFFFB0] =	vst v13;
	v9 =	vunpack.i.u.s16.s32 v11;
	v11 =	vunpack.i.l.s16.s32 v11;
	s20 =	sadd.s32 $0x80, s20  }
0x41: {  	[tilespmem:s18+$0x30] =	vst v10;
	v8 =	vpack.i.b32.b16 v11, v8  }
0x42: {  	v51 =	vunpack.i.l.s16.s32 v4;
	v7 =	vpack.i.b32.b16 v9, v7;
	[tilespmem:s18+$0xFFFFFFC0] =	vst v8;
	v52 =	vunpack.i.l.s16.s32 v6  }
0x43: {  	v53 =	vunpack.i.u.s16.s32 v4;
	s16 =	sadd.s32 $0x1, s16;
	v54 =	vunpack.i.u.s16.s32 v6;
	[tilespmem:s18+$0x40] =	vst v7;
	v55 =	vpack.i.b32.b16 v52, v51  }
0x44: {  	p0 =	sne.s32 s16, $0x10;
	v56 =	vunpack.i.l.s16.s32 v2;
	v4 =	vpack.i.b32.b16 v54, v53;
	[tilespmem:s18+$0xFFFFFFD0] =	vst v55;
	v57 =	vunpack.i.l.s16.s32 v3  }
.Ltmp4:
0x45: {  	[tilespmem:s18+$0x50] =	vst v4;
	v58 =	vunpack.i.l.s16.s32 v5;
	v59 =	vpack.i.b32.b16 v57, v56;
	(pc) =	sbr.rel @p0 .LBB1_3-.Ltmp4, $4  }
0x46: {  	v61 =	vunpack.i.u.s16.s32 v2;
	v62 =	vunpack.i.u.s16.s32 v3;
	v1 =	vpack.i.b32.b16 v1, v58;
	[tilespmem:s18+$0xFFFFFFE0] =	vst v59  }
0x47: {  	v60 =	vunpack.i.u.s16.s32 v5;
	v63 =	vpack.i.b32.b16 v62, v61;
	[tilespmem:s18+$0xFFFFFF80] =	vst v1  }
0x48: {  	v0 =	vpack.i.b32.b16 v0, v60;
	[tilespmem:s17+$0x60] =	vst v63  }
0x49: {  	s13 =	sadd.s32 $0x400, s13;
	s14 =	sadd.s32 $0x400, s14;
	[tilespmem:s17+$0x0] =	vst v0  }
.Ltmp5:
0x4a: {  	(pc) =	sbr.rel .LBB1_7-.Ltmp5, $4  }
0x4b: {  	_ = 	snop  }
0x4c: {  	s12 =	sshll.u32 s12, $0x7  }
0x4d: {  	s12 =	sadd.s32 s4, s12  }
0x4e: {  	[hbm4b:s12+s8] =	stream.linear.scatter [tilespmem:s15], [sflag:$0x2], $0x4000, $0x38;
	[tilespmem:$0x10000] =	vst v63  }
.LBB1_8:
0x4f: {  	_ =	sfence.sel $0x180000  }
0x50: {  	s2 =	simm.s32 $0x1;
	[bflag:$0x0] =	sbarrier.arrive $0xFFFF  }
0x51: {  	s31 =	simm.s32 $0x2;
	[sflag:s2] =	ssyncpa.u1 $0x1  }
0x52: {  	[sflag:s31] =	ssyncpa.u1 $0x1  }
0x53: {  	p0 =	sne.s32 s0, $0x0;
	_ =	strace $0x90000047  }
0x54: {  	s0 =	sadd.s32 @!p0 $0x100000, s1;
	[bflag:$0x2] =	sbarrier.arrive $0xFFFF  }
0x55: {  	[sflag:s0] =	ssyncadd.tile.s32 @!p0 $0x1;
	_ =	shalt  }
.Lfunc_end1:
_tile_overlayer_lowered:
.L_overlay_start_2:
0x56: {  	(tag) =	ssettag $0x2  }
0x57: {  	s0 =	rddreg [dreg:$0x0];
	s2 =	stileid.u32  }
0x58: {  	s1 =	rddreg [dreg:$0x1];
	p0 =	sne.s32 s2, $0x0  }
0x59: {  	s3 =	rddreg [dreg:$0x2];
	[bflag:$0x3] =	sbarrier.arrive $0xFFFF;
	s2 =	simm.s32 @!p0 $0x1C01  }
0x5a: {  	[timem:s3], [sflag:s2] =	dma.local @!p0 [hbm:s0], s1  }
0x5b: {  	s0 =	simm.s32 @!p0 $0x1  }
0x5c: {  	_ =	swait.ge @!p0 [sflag:s0], s1  }
0x5d: {  	s1 =	ssub.s32 @!p0 $0x0, s1;
	[sflag:s0] =	ssyncset.done @!p0 $0x0  }
0x5e: {  	[sflag:s0] =	ssyncadd.s32 @!p0 s1  }
0x5f: {  	[bflag:$0x3] =	sbarrier.arrive $0xFFFF  }
0x60: {  	_ =	shalt  }

</sc_bundles>
